<compile_context>
chip_gen: v7x
topology: tpu7x:2x2x1
jax: 0.10.2.dev20260603
libtpu: 0.0.44.dev20260713+nightly
codegen_flags: <defaults>
</compile_context>

<pallas_src>
import functools

import jax
import jax.numpy as jnp
from jax import lax
from jax.experimental import pallas as pl
from jax.experimental.pallas import tpu as pltpu
from jax.experimental.pallas import tpu_sc as plsc

_EMB = 64
_CHUNK = 128
_NB = 4
_LOOK = 2


@functools.lru_cache(maxsize=None)
def _build(BL: int, L: int):
    info = plsc.get_sparse_core_info()
    NC, NS = info.num_cores, info.num_subcores
    NW = NC * NS
    assert BL % (NW * _CHUNK) == 0
    rows_w = BL // NW
    n_chunks = rows_w // _CHUNK
    assert n_chunks % _NB == 0 and n_chunks >= 2 * _NB
    mesh = plsc.VectorSubcoreMesh(core_axis_name="c", subcore_axis_name="s")

    @functools.partial(
        pl.kernel,
        mesh=mesh,
        compiler_params=pltpu.CompilerParams(use_tc_tiling_on_sc=False),
        out_type=jax.ShapeDtypeStruct((BL, _EMB), jnp.float32),
        scratch_types=[
            pltpu.VMEM((rows_w,), jnp.int32),
            pltpu.VMEM((L, _EMB), jnp.float32),
            pltpu.VMEM((_NB, _CHUNK, _EMB), jnp.float32),
        ]
        + [pltpu.SemaphoreType.DMA] * (2 * _NB),
    )
    def k(x_hbm, emb_hbm, pos_hbm, out_hbm, idx_v, pos_v, buf_v, *sems):
        gs = sems[:_NB]
        ws = sems[_NB:]
        cid = lax.axis_index("c")
        sid = lax.axis_index("s")
        wid = sid * NC + cid
        base = wid * rows_w
        pltpu.sync_copy(pos_hbm.at[pl.ds(0, L)], pos_v)
        pltpu.sync_copy(x_hbm.at[pl.ds(base, rows_w)], idx_v)

        def gather_cp(c, slot):
            idx_view = idx_v.at[pl.ds(c * _CHUNK, _CHUNK)]
            return pltpu.make_async_copy(
                emb_hbm.at[idx_view], buf_v.at[slot], gs[slot])

        def wb_cp(c, slot):
            rb = base + c * _CHUNK
            return pltpu.make_async_copy(
                buf_v.at[slot], out_hbm.at[pl.ds(rb, _CHUNK)], ws[slot])

        for b in range(_LOOK):
            gather_cp(b, b).start()

        def outer(o, carry):
            for b in range(_NB):
                c = o * _NB + b
                gather_cp(c, b).wait()
                start = lax.rem(c * _CHUNK, L)
                bufb = buf_v.at[b]

                def row_body(j, _):
                    p = lax.rem(start + j, L)
                    for e in range(_EMB // 16):
                        sl = pl.ds(e * 16, 16)
                        plsc.addupdate(bufb.at[j, sl], pos_v[p, sl])
                    return 0

                lax.fori_loop(0, _CHUNK, row_body, 0, unroll=2)
                wb_cp(c, b).start()
                b2 = (b + _LOOK) % _NB

                @pl.when(c >= _NB - _LOOK)
                def _drain():
                    wb_cp(c - (_NB - _LOOK), b2).wait()

                @pl.when(c + _LOOK < n_chunks)
                def _fire():
                    gather_cp(c + _LOOK, b2).start()
            return carry

        lax.fori_loop(0, n_chunks // _NB, outer, 0)
        for c in range(n_chunks - (_NB - _LOOK), n_chunks):
            wb_cp(c, c % _NB).wait()

    return k


def kernel(x, emb_table, pos_table):
    B, L = x.shape
    BL = B * L
    xf = x.reshape(BL).astype(jnp.int32)
    out = _build(BL, L)(xf, emb_table, pos_table)
    return out.reshape(B, L, _EMB)

# --- scband reference (transcript-rebuilt; emitter-appended) ---
"""Pipeline reference for scband-custom-embedding-59476707115623 (READ-ONLY COPY).

The authoritative reference and input builder live on the scoring server;
editing this copy changes nothing except your own understanding.
"""

import jax, jax.numpy as jnp
import numpy as np

VOCAB = 1000000
EMB = 64
POS = 512
B = 4096
L = 200

def setup_inputs(seed: int = 0) -> dict:
    key = jax.random.key(seed)
    k1, k2, k3 = jax.random.split(key, 3)
    x = jax.random.randint(k1, (B, L), 0, VOCAB, dtype=jnp.int64 if jax.config.jax_enable_x64 else jnp.int32)
    emb_table = jax.random.normal(k2, (VOCAB, EMB), dtype=jnp.float32)
    pos_table = jax.random.normal(k3, (POS, EMB), dtype=jnp.float32)
    return {"x": x, "emb_table": emb_table, "pos_table": pos_table}

def reference(x, emb_table, pos_table):
    # positions = arange(seq_len) expanded to x's shape
    positions = jnp.arange(x.shape[1], dtype=x.dtype)
    positions = jnp.broadcast_to(positions[None, :], x.shape)
    tok = jnp.take(emb_table, x, axis=0)
    pos = jnp.take(pos_table, positions, axis=0)
    return tok + pos

if __name__ == "__main__":
    import jax
    _d = setup_inputs()
    print(jax.jit(kernel)(*tuple(_d.values())))

</pallas_src>

<mosaic_0001>
#map = affine_map<(d0, d1) -> (0)>
#map1 = affine_map<(d0, d1) -> (0, 0)>
module attributes {stable_mosaic.version = 14 : i64} {
  func.func @k(%arg0: i32, %arg1: i32, %arg2: memref<819200xi32, #tpu.memory_space<hbm>>, %arg3: memref<1000000x64xf32, #tpu.memory_space<hbm>>, %arg4: memref<512x64xf32, #tpu.memory_space<hbm>>, %arg5: memref<819200x64xf32, #tpu.memory_space<hbm>>, %arg6: memref<25600xi32, #tpu.memory_space<vmem>>, %arg7: memref<200x64xf32, #tpu.memory_space<vmem>>, %arg8: memref<4x128x64xf32, #tpu.memory_space<vmem>>, %arg9: memref<!tpu.dma_semaphore, #tpu.memory_space<semaphore_mem>>, %arg10: memref<!tpu.dma_semaphore, #tpu.memory_space<semaphore_mem>>, %arg11: memref<!tpu.dma_semaphore, #tpu.memory_space<semaphore_mem>>, %arg12: memref<!tpu.dma_semaphore, #tpu.memory_space<semaphore_mem>>, %arg13: memref<!tpu.dma_semaphore, #tpu.memory_space<semaphore_mem>>, %arg14: memref<!tpu.dma_semaphore, #tpu.memory_space<semaphore_mem>>, %arg15: memref<!tpu.dma_semaphore, #tpu.memory_space<semaphore_mem>>, %arg16: memref<!tpu.dma_semaphore, #tpu.memory_space<semaphore_mem>>) attributes {dimension_semantics = [#tpu.dimension_semantics<core_parallel>, #tpu.dimension_semantics<subcore_parallel>], iteration_bounds = array<i64: 2, 16>, scalar_prefetch = 0 : i64, scratch_operands = 11 : i64, tpu.core_type = #tpu.core_type<sc_vector_subcore>, window_params = [{transform_indices = #map}, {transform_indices = #map1}, {transform_indices = #map1}, {transform_indices = #map1}]} {
    %mul3A = arith.constant 2 : i32
    %mul3A_0 = arith.muli %arg1, %mul3A : i32
    %add3A = arith.addi %mul3A_0, %arg0 : i32
    %mul3A_1 = arith.constant 25600 : i32
    %mul3A_2 = arith.muli %add3A, %mul3A_1 : i32
    "tpu.region"() ({
      %run_scoped3A = tpu.sem_alloc : memref<!tpu.dma_semaphore, #tpu.memory_space<semaphore_mem>>
      %dma_start3A_56 = arith.constant 0 : i32
      %dma_start3A_57 = arith.constant 0 : i32
      %dma_start3A_58 = tpu.memref_slice %arg4[%dma_start3A_56, %dma_start3A_57] : memref<512x64xf32, #tpu.memory_space<hbm>> -> memref<200x64xf32, #tpu.memory_space<hbm>>
      %dma_start3A_59 = arith.constant 0 : i32
      %dma_start3A_60 = arith.constant 0 : i32
      %dma_start3A_61 = tpu.memref_slice %arg4[%dma_start3A_59, %dma_start3A_60] : memref<512x64xf32, #tpu.memory_space<hbm>> -> memref<200x64xf32, #tpu.memory_space<hbm>>
      tpu.enqueue_dma source(%dma_start3A_61 : memref<200x64xf32, #tpu.memory_space<hbm>>) target(%arg7 : memref<200x64xf32, #tpu.memory_space<vmem>>) target_semaphore(%run_scoped3A : memref<!tpu.dma_semaphore, #tpu.memory_space<semaphore_mem>>)
      %dma_wait3A_62 = arith.constant 0 : i32
      %dma_wait3A_63 = arith.constant 0 : i32
      %dma_wait3A_64 = tpu.memref_slice %arg4[%dma_wait3A_62, %dma_wait3A_63] : memref<512x64xf32, #tpu.memory_space<hbm>> -> memref<200x64xf32, #tpu.memory_space<hbm>>
      %dma_wait3A_65 = arith.constant 0 : i32
      %dma_wait3A_66 = arith.constant 0 : i32
      %dma_wait3A_67 = tpu.memref_slice %arg4[%dma_wait3A_65, %dma_wait3A_66] : memref<512x64xf32, #tpu.memory_space<hbm>> -> memref<200x64xf32, #tpu.memory_space<hbm>>
      tpu.wait_dma2 semaphore(%run_scoped3A : memref<!tpu.dma_semaphore, #tpu.memory_space<semaphore_mem>>) src(%dma_wait3A_67 : memref<200x64xf32, #tpu.memory_space<hbm>>) dst(%arg7 : memref<200x64xf32, #tpu.memory_space<vmem>>)
      tpu.yield
    }) : () -> ()
    "tpu.region"() ({
      %run_scoped3A = tpu.sem_alloc : memref<!tpu.dma_semaphore, #tpu.memory_space<semaphore_mem>>
      %dma_start3A_56 = tpu.memref_slice %arg2[%mul3A_2] : memref<819200xi32, #tpu.memory_space<hbm>> -> memref<25600xi32, #tpu.memory_space<hbm>>
      %dma_start3A_57 = tpu.memref_slice %arg2[%mul3A_2] : memref<819200xi32, #tpu.memory_space<hbm>> -> memref<25600xi32, #tpu.memory_space<hbm>>
      tpu.enqueue_dma source(%dma_start3A_57 : memref<25600xi32, #tpu.memory_space<hbm>>) target(%arg6 : memref<25600xi32, #tpu.memory_space<vmem>>) target_semaphore(%run_scoped3A : memref<!tpu.dma_semaphore, #tpu.memory_space<semaphore_mem>>)
      %dma_wait3A_58 = tpu.memref_slice %arg2[%mul3A_2] : memref<819200xi32, #tpu.memory_space<hbm>> -> memref<25600xi32, #tpu.memory_space<hbm>>
      %dma_wait3A_59 = tpu.memref_slice %arg2[%mul3A_2] : memref<819200xi32, #tpu.memory_space<hbm>> -> memref<25600xi32, #tpu.memory_space<hbm>>
      tpu.wait_dma2 semaphore(%run_scoped3A : memref<!tpu.dma_semaphore, #tpu.memory_space<semaphore_mem>>) src(%dma_wait3A_59 : memref<25600xi32, #tpu.memory_space<hbm>>) dst(%arg6 : memref<25600xi32, #tpu.memory_space<vmem>>)
      tpu.yield
    }) : () -> ()
    %dma_start3A = arith.constant 0 : i32
    %dma_start3A_3 = arith.constant 0 : i32
    %dma_start3A_4 = arith.constant 0 : i32
    %dma_start3A_5 = tpu.memref_slice %arg8[%dma_start3A, %dma_start3A_3, %dma_start3A_4] : memref<4x128x64xf32, #tpu.memory_space<vmem>> -> memref<1x128x64xf32, #tpu.memory_space<vmem>>
    %dma_start3A_6 = tpu.memref_squeeze %dma_start3A_5 : memref<1x128x64xf32, #tpu.memory_space<vmem>> -> memref<128x64xf32, #tpu.memory_space<vmem>>
    %dma_start3A_7 = arith.constant 0 : i32
    %dma_start3A_8 = tpu.memref_slice %arg6[%dma_start3A_7] : memref<25600xi32, #tpu.memory_space<vmem>> -> memref<128xi32, #tpu.memory_space<vmem>>
    %dma_start3A_9 = arith.constant 0 : i32
    %dma_start3A_10 = arith.constant 0 : i32
    %dma_start3A_11 = tpu.memref_slice %arg3[%dma_start3A_9, %dma_start3A_10] : memref<1000000x64xf32, #tpu.memory_space<hbm>> -> memref<1000000x64xf32, #tpu.memory_space<hbm>>
    tpu.enqueue_indirect_dma source(%dma_start3A_11 : memref<1000000x64xf32, #tpu.memory_space<hbm>>) target(%dma_start3A_6 : memref<128x64xf32, #tpu.memory_space<vmem>>) offsets(%dma_start3A_8 : memref<128xi32, #tpu.memory_space<vmem>>) semaphore(%arg9 : memref<!tpu.dma_semaphore, #tpu.memory_space<semaphore_mem>>)
    %dma_start3A_12 = arith.constant 1 : i32
    %dma_start3A_13 = arith.constant 0 : i32
    %dma_start3A_14 = arith.constant 0 : i32
    %dma_start3A_15 = tpu.memref_slice %arg8[%dma_start3A_12, %dma_start3A_13, %dma_start3A_14] : memref<4x128x64xf32, #tpu.memory_space<vmem>> -> memref<1x128x64xf32, #tpu.memory_space<vmem>>
    %dma_start3A_16 = tpu.memref_squeeze %dma_start3A_15 : memref<1x128x64xf32, #tpu.memory_space<vmem>> -> memref<128x64xf32, #tpu.memory_space<vmem>>
    %dma_start3A_17 = arith.constant 128 : i32
    %dma_start3A_18 = tpu.memref_slice %arg6[%dma_start3A_17] : memref<25600xi32, #tpu.memory_space<vmem>> -> memref<128xi32, #tpu.memory_space<vmem>>
    %dma_start3A_19 = arith.constant 0 : i32
    %dma_start3A_20 = arith.constant 0 : i32
    %dma_start3A_21 = tpu.memref_slice %arg3[%dma_start3A_19, %dma_start3A_20] : memref<1000000x64xf32, #tpu.memory_space<hbm>> -> memref<1000000x64xf32, #tpu.memory_space<hbm>>
    tpu.enqueue_indirect_dma source(%dma_start3A_21 : memref<1000000x64xf32, #tpu.memory_space<hbm>>) target(%dma_start3A_16 : memref<128x64xf32, #tpu.memory_space<vmem>>) offsets(%dma_start3A_18 : memref<128xi32, #tpu.memory_space<vmem>>) semaphore(%arg10 : memref<!tpu.dma_semaphore, #tpu.memory_space<semaphore_mem>>)
    %scan3A = arith.constant 0 : i32
    %scan3A_22 = arith.constant 0 : i32
    %scan3A_23 = arith.constant 50 : i32
    %scan3A_24 = arith.addi %scan3A_22, %scan3A_23 : i32
    %scan3A_25 = arith.constant 1 : i32
    scf.for %scan3A_56 = %scan3A_22 to %scan3A_24 step %scan3A_25  : i32 {
      %mul3A_57 = arith.constant 4 : i32
      %mul3A_58 = arith.muli %scan3A_56, %mul3A_57 : i32
      %add3A_59 = arith.constant 0 : i32
      %add3A_60 = arith.addi %mul3A_58, %add3A_59 : i32
      %mul3A_61 = arith.constant 128 : i32
      %mul3A_62 = arith.muli %add3A_60, %mul3A_61 : i32
      %dma_wait3A_63 = arith.constant 0 : i32
      %dma_wait3A_64 = arith.constant 0 : i32
      %dma_wait3A_65 = arith.constant 0 : i32
      %dma_wait3A_66 = tpu.memref_slice %arg8[%dma_wait3A_63, %dma_wait3A_64, %dma_wait3A_65] : memref<4x128x64xf32, #tpu.memory_space<vmem>> -> memref<1x128x64xf32, #tpu.memory_space<vmem>>
      %dma_wait3A_67 = tpu.memref_squeeze %dma_wait3A_66 : memref<1x128x64xf32, #tpu.memory_space<vmem>> -> memref<128x64xf32, #tpu.memory_space<vmem>>
      %dma_wait3A_68 = tpu.memref_slice %arg6[%mul3A_62] : memref<25600xi32, #tpu.memory_space<vmem>> -> memref<128xi32, #tpu.memory_space<vmem>>
      %dma_wait3A_69 = arith.constant 0 : i32
      %dma_wait3A_70 = arith.constant 0 : i32
      %dma_wait3A_71 = tpu.memref_slice %arg3[%dma_wait3A_69, %dma_wait3A_70] : memref<1000000x64xf32, #tpu.memory_space<hbm>> -> memref<1000000x64xf32, #tpu.memory_space<hbm>>
      tpu.wait_indirect_dma semaphore(%arg9 : memref<!tpu.dma_semaphore, #tpu.memory_space<semaphore_mem>>) src(%dma_wait3A_71 : memref<1000000x64xf32, #tpu.memory_space<hbm>>) dst(%dma_wait3A_67 : memref<128x64xf32, #tpu.memory_space<vmem>>)
      %mul3A_72 = arith.constant 128 : i32
      %mul3A_73 = arith.muli %add3A_60, %mul3A_72 : i32
      %rem3A = arith.constant 200 : i32
      %rem3A_74 = arith.remsi %mul3A_73, %rem3A : i32
      %scan3A_75 = arith.constant 0 : i32
      %scan3A_76 = arith.constant 0 : i32
      %scan3A_77 = arith.constant 0 : i32
      %scan3A_78 = arith.constant 128 : i32
      %scan3A_79 = arith.addi %scan3A_77, %scan3A_78 : i32
      %scan3A_80 = arith.constant 2 : i32
      %scan3A_81 = scf.for %scan3A_272 = %scan3A_77 to %scan3A_79 step %scan3A_80 iter_args(%scan3A_273 = %scan3A_76) -> (i32)  : i32 {
        %add3A_274 = arith.addi %rem3A_74, %scan3A_272 : i32
        %rem3A_275 = arith.constant 200 : i32
        %rem3A_276 = arith.remsi %add3A_274, %rem3A_275 : i32
        %get3A = arith.index_cast %rem3A_276 : i32 to index
        %get3A_277 = arith.constant 0 : index
        %get3A_278 = tpu.vector_load %arg7[%get3A, %get3A_277] {strides = array<i32>} : memref<200x64xf32, #tpu.memory_space<vmem>>, vector<1x16xf32>,
        %get3A_279 = vector.shape_cast %get3A_278 : vector<1x16xf32> to vector<16xf32>
        %swap3A = arith.constant 0 : i32
        %swap3A_280 = arith.constant 0 : i32
        %swap3A_281 = tpu.memref_slice %arg8[%scan3A_75, %swap3A, %swap3A_280] : memref<4x128x64xf32, #tpu.memory_space<vmem>> -> memref<1x128x64xf32, #tpu.memory_space<vmem>>
        %swap3A_282 = tpu.memref_squeeze %swap3A_281 : memref<1x128x64xf32, #tpu.memory_space<vmem>> -> memref<128x64xf32, #tpu.memory_space<vmem>>
        %swap3A_283 = arith.index_cast %scan3A_272 : i32 to index
        %swap3A_284 = arith.constant 0 : index
        %swap3A_285 = tpu.vector_load %swap3A_282[%swap3A_283, %swap3A_284] {strides = array<i32>} : memref<128x64xf32, #tpu.memory_space<vmem>>, vector<1x16xf32>,
        %swap3A_286 = vector.shape_cast %swap3A_285 : vector<1x16xf32> to vector<16xf32>
        %swap3A_287 = vector.shape_cast %get3A_279 : vector<16xf32> to vector<1x16xf32>
        tpu.vector_store %swap3A_282[%swap3A_283, %swap3A_284], %swap3A_287 {add = true, strides = array<i32>} : memref<128x64xf32, #tpu.memory_space<vmem>>, vector<1x16xf32>,
        %get3A_288 = arith.index_cast %rem3A_276 : i32 to index
        %get3A_289 = arith.constant 16 : index
        %get3A_290 = tpu.vector_load %arg7[%get3A_288, %get3A_289] {strides = array<i32>} : memref<200x64xf32, #tpu.memory_space<vmem>>, vector<1x16xf32>,
        %get3A_291 = vector.shape_cast %get3A_290 : vector<1x16xf32> to vector<16xf32>
        %swap3A_292 = arith.constant 0 : i32
        %swap3A_293 = arith.constant 0 : i32
        %swap3A_294 = tpu.memref_slice %arg8[%scan3A_75, %swap3A_292, %swap3A_293] : memref<4x128x64xf32, #tpu.memory_space<vmem>> -> memref<1x128x64xf32, #tpu.memory_space<vmem>>
        %swap3A_295 = tpu.memref_squeeze %swap3A_294 : memref<1x128x64xf32, #tpu.memory_space<vmem>> -> memref<128x64xf32, #tpu.memory_space<vmem>>
        %swap3A_296 = arith.index_cast %scan3A_272 : i32 to index
        %swap3A_297 = arith.constant 16 : index
        %swap3A_298 = tpu.vector_load %swap3A_295[%swap3A_296, %swap3A_297] {strides = array<i32>} : memref<128x64xf32, #tpu.memory_space<vmem>>, vector<1x16xf32>,
        %swap3A_299 = vector.shape_cast %swap3A_298 : vector<1x16xf32> to vector<16xf32>
        %swap3A_300 = vector.shape_cast %get3A_291 : vector<16xf32> to vector<1x16xf32>
        tpu.vector_store %swap3A_295[%swap3A_296, %swap3A_297], %swap3A_300 {add = true, strides = array<i32>} : memref<128x64xf32, #tpu.memory_space<vmem>>, vector<1x16xf32>,
        %get3A_301 = arith.index_cast %rem3A_276 : i32 to index
        %get3A_302 = arith.constant 32 : index
        %get3A_303 = tpu.vector_load %arg7[%get3A_301, %get3A_302] {strides = array<i32>} : memref<200x64xf32, #tpu.memory_space<vmem>>, vector<1x16xf32>,
        %get3A_304 = vector.shape_cast %get3A_303 : vector<1x16xf32> to vector<16xf32>
        %swap3A_305 = arith.constant 0 : i32
        %swap3A_306 = arith.constant 0 : i32
        %swap3A_307 = tpu.memref_slice %arg8[%scan3A_75, %swap3A_305, %swap3A_306] : memref<4x128x64xf32, #tpu.memory_space<vmem>> -> memref<1x128x64xf32, #tpu.memory_space<vmem>>
        %swap3A_308 = tpu.memref_squeeze %swap3A_307 : memref<1x128x64xf32, #tpu.memory_space<vmem>> -> memref<128x64xf32, #tpu.memory_space<vmem>>
        %swap3A_309 = arith.index_cast %scan3A_272 : i32 to index
        %swap3A_310 = arith.constant 32 : index
        %swap3A_311 = tpu.vector_load %swap3A_308[%swap3A_309, %swap3A_310] {strides = array<i32>} : memref<128x64xf32, #tpu.memory_space<vmem>>, vector<1x16xf32>,
        %swap3A_312 = vector.shape_cast %swap3A_311 : vector<1x16xf32> to vector<16xf32>
        %swap3A_313 = vector.shape_cast %get3A_304 : vector<16xf32> to vector<1x16xf32>
        tpu.vector_store %swap3A_308[%swap3A_309, %swap3A_310], %swap3A_313 {add = true, strides = array<i32>} : memref<128x64xf32, #tpu.memory_space<vmem>>, vector<1x16xf32>,
        %get3A_314 = arith.index_cast %rem3A_276 : i32 to index
        %get3A_315 = arith.constant 48 : index
        %get3A_316 = tpu.vector_load %arg7[%get3A_314, %get3A_315] {strides = array<i32>} : memref<200x64xf32, #tpu.memory_space<vmem>>, vector<1x16xf32>,
        %get3A_317 = vector.shape_cast %get3A_316 : vector<1x16xf32> to vector<16xf32>
        %swap3A_318 = arith.constant 0 : i32
        %swap3A_319 = arith.constant 0 : i32
        %swap3A_320 = tpu.memref_slice %arg8[%scan3A_75, %swap3A_318, %swap3A_319] : memref<4x128x64xf32, #tpu.memory_space<vmem>> -> memref<1x128x64xf32, #tpu.memory_space<vmem>>
        %swap3A_321 = tpu.memref_squeeze %swap3A_320 : memref<1x128x64xf32, #tpu.memory_space<vmem>> -> memref<128x64xf32, #tpu.memory_space<vmem>>
        %swap3A_322 = arith.index_cast %scan3A_272 : i32 to index
        %swap3A_323 = arith.constant 48 : index
        %swap3A_324 = tpu.vector_load %swap3A_321[%swap3A_322, %swap3A_323] {strides = array<i32>} : memref<128x64xf32, #tpu.memory_space<vmem>>, vector<1x16xf32>,
        %swap3A_325 = vector.shape_cast %swap3A_324 : vector<1x16xf32> to vector<16xf32>
        %swap3A_326 = vector.shape_cast %get3A_317 : vector<16xf32> to vector<1x16xf32>
        tpu.vector_store %swap3A_321[%swap3A_322, %swap3A_323], %swap3A_326 {add = true, strides = array<i32>} : memref<128x64xf32, #tpu.memory_space<vmem>>, vector<1x16xf32>,
        %scan3A_327 = arith.constant 0 : i32
        %scan3A_328 = arith.constant 1 : i32
        %scan3A_329 = arith.addi %scan3A_272, %scan3A_328 : i32
        %add3A_330 = arith.addi %rem3A_74, %scan3A_329 : i32
        %rem3A_331 = arith.constant 200 : i32
        %rem3A_332 = arith.remsi %add3A_330, %rem3A_331 : i32
        %get3A_333 = arith.index_cast %rem3A_332 : i32 to index
        %get3A_334 = arith.constant 0 : index
        %get3A_335 = tpu.vector_load %arg7[%get3A_333, %get3A_334] {strides = array<i32>} : memref<200x64xf32, #tpu.memory_space<vmem>>, vector<1x16xf32>,
        %get3A_336 = vector.shape_cast %get3A_335 : vector<1x16xf32> to vector<16xf32>
        %swap3A_337 = arith.constant 0 : i32
        %swap3A_338 = arith.constant 0 : i32
        %swap3A_339 = tpu.memref_slice %arg8[%scan3A_75, %swap3A_337, %swap3A_338] : memref<4x128x64xf32, #tpu.memory_space<vmem>> -> memref<1x128x64xf32, #tpu.memory_space<vmem>>
        %swap3A_340 = tpu.memref_squeeze %swap3A_339 : memref<1x128x64xf32, #tpu.memory_space<vmem>> -> memref<128x64xf32, #tpu.memory_space<vmem>>
        %swap3A_341 = arith.index_cast %scan3A_329 : i32 to index
        %swap3A_342 = arith.constant 0 : index
        %swap3A_343 = tpu.vector_load %swap3A_340[%swap3A_341, %swap3A_342] {strides = array<i32>} : memref<128x64xf32, #tpu.memory_space<vmem>>, vector<1x16xf32>,
        %swap3A_344 = vector.shape_cast %swap3A_343 : vector<1x16xf32> to vector<16xf32>
        %swap3A_345 = vector.shape_cast %get3A_336 : vector<16xf32> to vector<1x16xf32>
        tpu.vector_store %swap3A_340[%swap3A_341, %swap3A_342], %swap3A_345 {add = true, strides = array<i32>} : memref<128x64xf32, #tpu.memory_space<vmem>>, vector<1x16xf32>,
        %get3A_346 = arith.index_cast %rem3A_332 : i32 to index
        %get3A_347 = arith.constant 16 : index
        %get3A_348 = tpu.vector_load %arg7[%get3A_346, %get3A_347] {strides = array<i32>} : memref<200x64xf32, #tpu.memory_space<vmem>>, vector<1x16xf32>,
        %get3A_349 = vector.shape_cast %get3A_348 : vector<1x16xf32> to vector<16xf32>
        %swap3A_350 = arith.constant 0 : i32
        %swap3A_351 = arith.constant 0 : i32
        %swap3A_352 = tpu.memref_slice %arg8[%scan3A_75, %swap3A_350, %swap3A_351] : memref<4x128x64xf32, #tpu.memory_space<vmem>> -> memref<1x128x64xf32, #tpu.memory_space<vmem>>
        %swap3A_353 = tpu.memref_squeeze %swap3A_352 : memref<1x128x64xf32, #tpu.memory_space<vmem>> -> memref<128x64xf32, #tpu.memory_space<vmem>>
        %swap3A_354 = arith.index_cast %scan3A_329 : i32 to index
        %swap3A_355 = arith.constant 16 : index
        %swap3A_356 = tpu.vector_load %swap3A_353[%swap3A_354, %swap3A_355] {strides = array<i32>} : memref<128x64xf32, #tpu.memory_space<vmem>>, vector<1x16xf32>,
        %swap3A_357 = vector.shape_cast %swap3A_356 : vector<1x16xf32> to vector<16xf32>
        %swap3A_358 = vector.shape_cast %get3A_349 : vector<16xf32> to vector<1x16xf32>
        tpu.vector_store %swap3A_353[%swap3A_354, %swap3A_355], %swap3A_358 {add = true, strides = array<i32>} : memref<128x64xf32, #tpu.memory_space<vmem>>, vector<1x16xf32>,
        %get3A_359 = arith.index_cast %rem3A_332 : i32 to index
        %get3A_360 = arith.constant 32 : index
        %get3A_361 = tpu.vector_load %arg7[%get3A_359, %get3A_360] {strides = array<i32>} : memref<200x64xf32, #tpu.memory_space<vmem>>, vector<1x16xf32>,
        %get3A_362 = vector.shape_cast %get3A_361 : vector<1x16xf32> to vector<16xf32>
        %swap3A_363 = arith.constant 0 : i32
        %swap3A_364 = arith.constant 0 : i32
        %swap3A_365 = tpu.memref_slice %arg8[%scan3A_75, %swap3A_363, %swap3A_364] : memref<4x128x64xf32, #tpu.memory_space<vmem>> -> memref<1x128x64xf32, #tpu.memory_space<vmem>>
        %swap3A_366 = tpu.memref_squeeze %swap3A_365 : memref<1x128x64xf32, #tpu.memory_space<vmem>> -> memref<128x64xf32, #tpu.memory_space<vmem>>
        %swap3A_367 = arith.index_cast %scan3A_329 : i32 to index
        %swap3A_368 = arith.constant 32 : index
        %swap3A_369 = tpu.vector_load %swap3A_366[%swap3A_367, %swap3A_368] {strides = array<i32>} : memref<128x64xf32, #tpu.memory_space<vmem>>, vector<1x16xf32>,
        %swap3A_370 = vector.shape_cast %swap3A_369 : vector<1x16xf32> to vector<16xf32>
        %swap3A_371 = vector.shape_cast %get3A_362 : vector<16xf32> to vector<1x16xf32>
        tpu.vector_store %swap3A_366[%swap3A_367, %swap3A_368], %swap3A_371 {add = true, strides = array<i32>} : memref<128x64xf32, #tpu.memory_space<vmem>>, vector<1x16xf32>,
        %get3A_372 = arith.index_cast %rem3A_332 : i32 to index
        %get3A_373 = arith.constant 48 : index
        %get3A_374 = tpu.vector_load %arg7[%get3A_372, %get3A_373] {strides = array<i32>} : memref<200x64xf32, #tpu.memory_space<vmem>>, vector<1x16xf32>,
        %get3A_375 = vector.shape_cast %get3A_374 : vector<1x16xf32> to vector<16xf32>
        %swap3A_376 = arith.constant 0 : i32
        %swap3A_377 = arith.constant 0 : i32
        %swap3A_378 = tpu.memref_slice %arg8[%scan3A_75, %swap3A_376, %swap3A_377] : memref<4x128x64xf32, #tpu.memory_space<vmem>> -> memref<1x128x64xf32, #tpu.memory_space<vmem>>
        %swap3A_379 = tpu.memref_squeeze %swap3A_378 : memref<1x128x64xf32, #tpu.memory_space<vmem>> -> memref<128x64xf32, #tpu.memory_space<vmem>>
        %swap3A_380 = arith.index_cast %scan3A_329 : i32 to index
        %swap3A_381 = arith.constant 48 : index
        %swap3A_382 = tpu.vector_load %swap3A_379[%swap3A_380, %swap3A_381] {strides = array<i32>} : memref<128x64xf32, #tpu.memory_space<vmem>>, vector<1x16xf32>,
        %swap3A_383 = vector.shape_cast %swap3A_382 : vector<1x16xf32> to vector<16xf32>
        %swap3A_384 = vector.shape_cast %get3A_375 : vector<16xf32> to vector<1x16xf32>
        tpu.vector_store %swap3A_379[%swap3A_380, %swap3A_381], %swap3A_384 {add = true, strides = array<i32>} : memref<128x64xf32, #tpu.memory_space<vmem>>, vector<1x16xf32>,
        %scan3A_385 = arith.constant 0 : i32
        scf.yield %scan3A_385 : i32
      }
      %scan3A_82 = arith.constant 128 : i32
      %mul3A_83 = arith.constant 128 : i32
      %mul3A_84 = arith.muli %add3A_60, %mul3A_83 : i32
      %add3A_85 = arith.addi %mul3A_2, %mul3A_84 : i32
      %dma_start3A_86 = arith.constant 0 : i32
      %dma_start3A_87 = arith.constant 0 : i32
      %dma_start3A_88 = arith.constant 0 : i32
      %dma_start3A_89 = tpu.memref_slice %arg8[%dma_start3A_86, %dma_start3A_87, %dma_start3A_88] : memref<4x128x64xf32, #tpu.memory_space<vmem>> -> memref<1x128x64xf32, #tpu.memory_space<vmem>>
      %dma_start3A_90 = tpu.memref_squeeze %dma_start3A_89 : memref<1x128x64xf32, #tpu.memory_space<vmem>> -> memref<128x64xf32, #tpu.memory_space<vmem>>
      %dma_start3A_91 = arith.constant 0 : i32
      %dma_start3A_92 = tpu.memref_slice %arg5[%add3A_85, %dma_start3A_91] : memref<819200x64xf32, #tpu.memory_space<hbm>> -> memref<128x64xf32, #tpu.memory_space<hbm>>
      %dma_start3A_93 = arith.constant 0 : i32
      %dma_start3A_94 = tpu.memref_slice %arg5[%add3A_85, %dma_start3A_93] : memref<819200x64xf32, #tpu.memory_space<hbm>> -> memref<128x64xf32, #tpu.memory_space<hbm>>
      %dma_start3A_95 = arith.constant 0 : i32
      %dma_start3A_96 = arith.constant 0 : i32
      %dma_start3A_97 = tpu.memref_slice %arg8[%dma_start3A_86, %dma_start3A_95, %dma_start3A_96] : memref<4x128x64xf32, #tpu.memory_space<vmem>> -> memref<1x128x64xf32, #tpu.memory_space<vmem>>
      %dma_start3A_98 = tpu.memref_squeeze %dma_start3A_97 : memref<1x128x64xf32, #tpu.memory_space<vmem>> -> memref<128x64xf32, #tpu.memory_space<vmem>>
      tpu.enqueue_dma source(%dma_start3A_98 : memref<128x64xf32, #tpu.memory_space<vmem>>) target(%dma_start3A_94 : memref<128x64xf32, #tpu.memory_space<hbm>>) target_semaphore(%arg13 : memref<!tpu.dma_semaphore, #tpu.memory_space<semaphore_mem>>)
      %ge3A = arith.constant 2 : i32
      %ge3A_99 = arith.cmpi sge, %add3A_60, %ge3A : i32
      %convert_element_type3A = arith.extui %ge3A_99 : i1 to i32
      %cond3A = arith.constant 0 : i32
      %cond3A_100 = arith.cmpi ne, %convert_element_type3A, %cond3A : i32
      scf.if %cond3A_100 {
        %sub3A = arith.constant 2 : i32
        %sub3A_272 = arith.subi %add3A_60, %sub3A : i32
        %mul3A_273 = arith.constant 128 : i32
        %mul3A_274 = arith.muli %sub3A_272, %mul3A_273 : i32
        %add3A_275 = arith.addi %mul3A_2, %mul3A_274 : i32
        %dma_wait3A_276 = arith.constant 2 : i32
        %dma_wait3A_277 = arith.constant 0 : i32
        %dma_wait3A_278 = arith.constant 0 : i32
        %dma_wait3A_279 = tpu.memref_slice %arg8[%dma_wait3A_276, %dma_wait3A_277, %dma_wait3A_278] : memref<4x128x64xf32, #tpu.memory_space<vmem>> -> memref<1x128x64xf32, #tpu.memory_space<vmem>>
        %dma_wait3A_280 = tpu.memref_squeeze %dma_wait3A_279 : memref<1x128x64xf32, #tpu.memory_space<vmem>> -> memref<128x64xf32, #tpu.memory_space<vmem>>
        %dma_wait3A_281 = arith.constant 0 : i32
        %dma_wait3A_282 = tpu.memref_slice %arg5[%add3A_275, %dma_wait3A_281] : memref<819200x64xf32, #tpu.memory_space<hbm>> -> memref<128x64xf32, #tpu.memory_space<hbm>>
        %dma_wait3A_283 = arith.constant 0 : i32
        %dma_wait3A_284 = tpu.memref_slice %arg5[%add3A_275, %dma_wait3A_283] : memref<819200x64xf32, #tpu.memory_space<hbm>> -> memref<128x64xf32, #tpu.memory_space<hbm>>
        %dma_wait3A_285 = arith.constant 0 : i32
        %dma_wait3A_286 = arith.constant 0 : i32
        %dma_wait3A_287 = tpu.memref_slice %arg8[%dma_wait3A_276, %dma_wait3A_285, %dma_wait3A_286] : memref<4x128x64xf32, #tpu.memory_space<vmem>> -> memref<1x128x64xf32, #tpu.memory_space<vmem>>
        %dma_wait3A_288 = tpu.memref_squeeze %dma_wait3A_287 : memref<1x128x64xf32, #tpu.memory_space<vmem>> -> memref<128x64xf32, #tpu.memory_space<vmem>>
        tpu.wait_dma2 semaphore(%arg15 : memref<!tpu.dma_semaphore, #tpu.memory_space<semaphore_mem>>) src(%dma_wait3A_288 : memref<128x64xf32, #tpu.memory_space<vmem>>) dst(%dma_wait3A_284 : memref<128x64xf32, #tpu.memory_space<hbm>>)
      } else {
      }
      %add3A_101 = arith.constant 2 : i32
      %add3A_102 = arith.addi %add3A_60, %add3A_101 : i32
      %lt3A = arith.constant 200 : i32
      %lt3A_103 = arith.cmpi slt, %add3A_102, %lt3A : i32
      %convert_element_type3A_104 = arith.extui %lt3A_103 : i1 to i32
      %cond3A_105 = arith.constant 0 : i32
      %cond3A_106 = arith.cmpi ne, %convert_element_type3A_104, %cond3A_105 : i32
      scf.if %cond3A_106 {
        %add3A_272 = arith.constant 2 : i32
        %add3A_273 = arith.addi %add3A_60, %add3A_272 : i32
        %mul3A_274 = arith.constant 128 : i32
        %mul3A_275 = arith.muli %add3A_273, %mul3A_274 : i32
        %dma_start3A_276 = arith.constant 2 : i32
        %dma_start3A_277 = arith.constant 0 : i32
        %dma_start3A_278 = arith.constant 0 : i32
        %dma_start3A_279 = tpu.memref_slice %arg8[%dma_start3A_276, %dma_start3A_277, %dma_start3A_278] : memref<4x128x64xf32, #tpu.memory_space<vmem>> -> memref<1x128x64xf32, #tpu.memory_space<vmem>>
        %dma_start3A_280 = tpu.memref_squeeze %dma_start3A_279 : memref<1x128x64xf32, #tpu.memory_space<vmem>> -> memref<128x64xf32, #tpu.memory_space<vmem>>
        %dma_start3A_281 = tpu.memref_slice %arg6[%mul3A_275] : memref<25600xi32, #tpu.memory_space<vmem>> -> memref<128xi32, #tpu.memory_space<vmem>>
        %dma_start3A_282 = arith.constant 0 : i32
        %dma_start3A_283 = arith.constant 0 : i32
        %dma_start3A_284 = tpu.memref_slice %arg3[%dma_start3A_282, %dma_start3A_283] : memref<1000000x64xf32, #tpu.memory_space<hbm>> -> memref<1000000x64xf32, #tpu.memory_space<hbm>>
        tpu.enqueue_indirect_dma source(%dma_start3A_284 : memref<1000000x64xf32, #tpu.memory_space<hbm>>) target(%dma_start3A_280 : memref<128x64xf32, #tpu.memory_space<vmem>>) offsets(%dma_start3A_281 : memref<128xi32, #tpu.memory_space<vmem>>) semaphore(%arg11 : memref<!tpu.dma_semaphore, #tpu.memory_space<semaphore_mem>>)
      } else {
      }
      %mul3A_107 = arith.constant 4 : i32
      %mul3A_108 = arith.muli %scan3A_56, %mul3A_107 : i32
      %add3A_109 = arith.constant 1 : i32
      %add3A_110 = arith.addi %mul3A_108, %add3A_109 : i32
      %mul3A_111 = arith.constant 128 : i32
      %mul3A_112 = arith.muli %add3A_110, %mul3A_111 : i32
      %dma_wait3A_113 = arith.constant 1 : i32
      %dma_wait3A_114 = arith.constant 0 : i32
      %dma_wait3A_115 = arith.constant 0 : i32
      %dma_wait3A_116 = tpu.memref_slice %arg8[%dma_wait3A_113, %dma_wait3A_114, %dma_wait3A_115] : memref<4x128x64xf32, #tpu.memory_space<vmem>> -> memref<1x128x64xf32, #tpu.memory_space<vmem>>
      %dma_wait3A_117 = tpu.memref_squeeze %dma_wait3A_116 : memref<1x128x64xf32, #tpu.memory_space<vmem>> -> memref<128x64xf32, #tpu.memory_space<vmem>>
      %dma_wait3A_118 = tpu.memref_slice %arg6[%mul3A_112] : memref<25600xi32, #tpu.memory_space<vmem>> -> memref<128xi32, #tpu.memory_space<vmem>>
      %dma_wait3A_119 = arith.constant 0 : i32
      %dma_wait3A_120 = arith.constant 0 : i32
      %dma_wait3A_121 = tpu.memref_slice %arg3[%dma_wait3A_119, %dma_wait3A_120] : memref<1000000x64xf32, #tpu.memory_space<hbm>> -> memref<1000000x64xf32, #tpu.memory_space<hbm>>
      tpu.wait_indirect_dma semaphore(%arg10 : memref<!tpu.dma_semaphore, #tpu.memory_space<semaphore_mem>>) src(%dma_wait3A_121 : memref<1000000x64xf32, #tpu.memory_space<hbm>>) dst(%dma_wait3A_117 : memref<128x64xf32, #tpu.memory_space<vmem>>)
      %mul3A_122 = arith.constant 128 : i32
      %mul3A_123 = arith.muli %add3A_110, %mul3A_122 : i32
      %rem3A_124 = arith.constant 200 : i32
      %rem3A_125 = arith.remsi %mul3A_123, %rem3A_124 : i32
      %scan3A_126 = arith.constant 1 : i32
      %scan3A_127 = arith.constant 0 : i32
      %scan3A_128 = arith.constant 0 : i32
      %scan3A_129 = arith.constant 128 : i32
      %scan3A_130 = arith.addi %scan3A_128, %scan3A_129 : i32
      %scan3A_131 = arith.constant 2 : i32
      %scan3A_132 = scf.for %scan3A_272 = %scan3A_128 to %scan3A_130 step %scan3A_131 iter_args(%scan3A_273 = %scan3A_127) -> (i32)  : i32 {
        %add3A_274 = arith.addi %rem3A_125, %scan3A_272 : i32
        %rem3A_275 = arith.constant 200 : i32
        %rem3A_276 = arith.remsi %add3A_274, %rem3A_275 : i32
        %get3A = arith.index_cast %rem3A_276 : i32 to index
        %get3A_277 = arith.constant 0 : index
        %get3A_278 = tpu.vector_load %arg7[%get3A, %get3A_277] {strides = array<i32>} : memref<200x64xf32, #tpu.memory_space<vmem>>, vector<1x16xf32>,
        %get3A_279 = vector.shape_cast %get3A_278 : vector<1x16xf32> to vector<16xf32>
        %swap3A = arith.constant 0 : i32
        %swap3A_280 = arith.constant 0 : i32
        %swap3A_281 = tpu.memref_slice %arg8[%scan3A_126, %swap3A, %swap3A_280] : memref<4x128x64xf32, #tpu.memory_space<vmem>> -> memref<1x128x64xf32, #tpu.memory_space<vmem>>
        %swap3A_282 = tpu.memref_squeeze %swap3A_281 : memref<1x128x64xf32, #tpu.memory_space<vmem>> -> memref<128x64xf32, #tpu.memory_space<vmem>>
        %swap3A_283 = arith.index_cast %scan3A_272 : i32 to index
        %swap3A_284 = arith.constant 0 : index
        %swap3A_285 = tpu.vector_load %swap3A_282[%swap3A_283, %swap3A_284] {strides = array<i32>} : memref<128x64xf32, #tpu.memory_space<vmem>>, vector<1x16xf32>,
        %swap3A_286 = vector.shape_cast %swap3A_285 : vector<1x16xf32> to vector<16xf32>
        %swap3A_287 = vector.shape_cast %get3A_279 : vector<16xf32> to vector<1x16xf32>
        tpu.vector_store %swap3A_282[%swap3A_283, %swap3A_284], %swap3A_287 {add = true, strides = array<i32>} : memref<128x64xf32, #tpu.memory_space<vmem>>, vector<1x16xf32>,
        %get3A_288 = arith.index_cast %rem3A_276 : i32 to index
        %get3A_289 = arith.constant 16 : index
        %get3A_290 = tpu.vector_load %arg7[%get3A_288, %get3A_289] {strides = array<i32>} : memref<200x64xf32, #tpu.memory_space<vmem>>, vector<1x16xf32>,
        %get3A_291 = vector.shape_cast %get3A_290 : vector<1x16xf32> to vector<16xf32>
        %swap3A_292 = arith.constant 0 : i32
        %swap3A_293 = arith.constant 0 : i32
        %swap3A_294 = tpu.memref_slice %arg8[%scan3A_126, %swap3A_292, %swap3A_293] : memref<4x128x64xf32, #tpu.memory_space<vmem>> -> memref<1x128x64xf32, #tpu.memory_space<vmem>>
        %swap3A_295 = tpu.memref_squeeze %swap3A_294 : memref<1x128x64xf32, #tpu.memory_space<vmem>> -> memref<128x64xf32, #tpu.memory_space<vmem>>
        %swap3A_296 = arith.index_cast %scan3A_272 : i32 to index
        %swap3A_297 = arith.constant 16 : index
        %swap3A_298 = tpu.vector_load %swap3A_295[%swap3A_296, %swap3A_297] {strides = array<i32>} : memref<128x64xf32, #tpu.memory_space<vmem>>, vector<1x16xf32>,
        %swap3A_299 = vector.shape_cast %swap3A_298 : vector<1x16xf32> to vector<16xf32>
        %swap3A_300 = vector.shape_cast %get3A_291 : vector<16xf32> to vector<1x16xf32>
        tpu.vector_store %swap3A_295[%swap3A_296, %swap3A_297], %swap3A_300 {add = true, strides = array<i32>} : memref<128x64xf32, #tpu.memory_space<vmem>>, vector<1x16xf32>,
        %get3A_301 = arith.index_cast %rem3A_276 : i32 to index
        %get3A_302 = arith.constant 32 : index
        %get3A_303 = tpu.vector_load %arg7[%get3A_301, %get3A_302] {strides = array<i32>} : memref<200x64xf32, #tpu.memory_space<vmem>>, vector<1x16xf32>,
        %get3A_304 = vector.shape_cast %get3A_303 : vector<1x16xf32> to vector<16xf32>
        %swap3A_305 = arith.constant 0 : i32
        %swap3A_306 = arith.constant 0 : i32
        %swap3A_307 = tpu.memref_slice %arg8[%scan3A_126, %swap3A_305, %swap3A_306] : memref<4x128x64xf32, #tpu.memory_space<vmem>> -> memref<1x128x64xf32, #tpu.memory_space<vmem>>
        %swap3A_308 = tpu.memref_squeeze %swap3A_307 : memref<1x128x64xf32, #tpu.memory_space<vmem>> -> memref<128x64xf32, #tpu.memory_space<vmem>>
        %swap3A_309 = arith.index_cast %scan3A_272 : i32 to index
        %swap3A_310 = arith.constant 32 : index
        %swap3A_311 = tpu.vector_load %swap3A_308[%swap3A_309, %swap3A_310] {strides = array<i32>} : memref<128x64xf32, #tpu.memory_space<vmem>>, vector<1x16xf32>,
        %swap3A_312 = vector.shape_cast %swap3A_311 : vector<1x16xf32> to vector<16xf32>
        %swap3A_313 = vector.shape_cast %get3A_304 : vector<16xf32> to vector<1x16xf32>
        tpu.vector_store %swap3A_308[%swap3A_309, %swap3A_310], %swap3A_313 {add = true, strides = array<i32>} : memref<128x64xf32, #tpu.memory_space<vmem>>, vector<1x16xf32>,
        %get3A_314 = arith.index_cast %rem3A_276 : i32 to index
        %get3A_315 = arith.constant 48 : index
        %get3A_316 = tpu.vector_load %arg7[%get3A_314, %get3A_315] {strides = array<i32>} : memref<200x64xf32, #tpu.memory_space<vmem>>, vector<1x16xf32>,
        %get3A_317 = vector.shape_cast %get3A_316 : vector<1x16xf32> to vector<16xf32>
        %swap3A_318 = arith.constant 0 : i32
        %swap3A_319 = arith.constant 0 : i32
        %swap3A_320 = tpu.memref_slice %arg8[%scan3A_126, %swap3A_318, %swap3A_319] : memref<4x128x64xf32, #tpu.memory_space<vmem>> -> memref<1x128x64xf32, #tpu.memory_space<vmem>>
        %swap3A_321 = tpu.memref_squeeze %swap3A_320 : memref<1x128x64xf32, #tpu.memory_space<vmem>> -> memref<128x64xf32, #tpu.memory_space<vmem>>
        %swap3A_322 = arith.index_cast %scan3A_272 : i32 to index
        %swap3A_323 = arith.constant 48 : index
        %swap3A_324 = tpu.vector_load %swap3A_321[%swap3A_322, %swap3A_323] {strides = array<i32>} : memref<128x64xf32, #tpu.memory_space<vmem>>, vector<1x16xf32>,
        %swap3A_325 = vector.shape_cast %swap3A_324 : vector<1x16xf32> to vector<16xf32>
        %swap3A_326 = vector.shape_cast %get3A_317 : vector<16xf32> to vector<1x16xf32>
        tpu.vector_store %swap3A_321[%swap3A_322, %swap3A_323], %swap3A_326 {add = true, strides = array<i32>} : memref<128x64xf32, #tpu.memory_space<vmem>>, vector<1x16xf32>,
        %scan3A_327 = arith.constant 0 : i32
        %scan3A_328 = arith.constant 1 : i32
        %scan3A_329 = arith.addi %scan3A_272, %scan3A_328 : i32
        %add3A_330 = arith.addi %rem3A_125, %scan3A_329 : i32
        %rem3A_331 = arith.constant 200 : i32
        %rem3A_332 = arith.remsi %add3A_330, %rem3A_331 : i32
        %get3A_333 = arith.index_cast %rem3A_332 : i32 to index
        %get3A_334 = arith.constant 0 : index
        %get3A_335 = tpu.vector_load %arg7[%get3A_333, %get3A_334] {strides = array<i32>} : memref<200x64xf32, #tpu.memory_space<vmem>>, vector<1x16xf32>,
        %get3A_336 = vector.shape_cast %get3A_335 : vector<1x16xf32> to vector<16xf32>
        %swap3A_337 = arith.constant 0 : i32
        %swap3A_338 = arith.constant 0 : i32
        %swap3A_339 = tpu.memref_slice %arg8[%scan3A_126, %swap3A_337, %swap3A_338] : memref<4x128x64xf32, #tpu.memory_space<vmem>> -> memref<1x128x64xf32, #tpu.memory_space<vmem>>
        %swap3A_340 = tpu.memref_squeeze %swap3A_339 : memref<1x128x64xf32, #tpu.memory_space<vmem>> -> memref<128x64xf32, #tpu.memory_space<vmem>>
        %swap3A_341 = arith.index_cast %scan3A_329 : i32 to index
        %swap3A_342 = arith.constant 0 : index
        %swap3A_343 = tpu.vector_load %swap3A_340[%swap3A_341, %swap3A_342] {strides = array<i32>} : memref<128x64xf32, #tpu.memory_space<vmem>>, vector<1x16xf32>,
        %swap3A_344 = vector.shape_cast %swap3A_343 : vector<1x16xf32> to vector<16xf32>
        %swap3A_345 = vector.shape_cast %get3A_336 : vector<16xf32> to vector<1x16xf32>
        tpu.vector_store %swap3A_340[%swap3A_341, %swap3A_342], %swap3A_345 {add = true, strides = array<i32>} : memref<128x64xf32, #tpu.memory_space<vmem>>, vector<1x16xf32>,
        %get3A_346 = arith.index_cast %rem3A_332 : i32 to index
        %get3A_347 = arith.constant 16 : index
        %get3A_348 = tpu.vector_load %arg7[%get3A_346, %get3A_347] {strides = array<i32>} : memref<200x64xf32, #tpu.memory_space<vmem>>, vector<1x16xf32>,
        %get3A_349 = vector.shape_cast %get3A_348 : vector<1x16xf32> to vector<16xf32>
        %swap3A_350 = arith.constant 0 : i32
        %swap3A_351 = arith.constant 0 : i32
        %swap3A_352 = tpu.memref_slice %arg8[%scan3A_126, %swap3A_350, %swap3A_351] : memref<4x128x64xf32, #tpu.memory_space<vmem>> -> memref<1x128x64xf32, #tpu.memory_space<vmem>>
        %swap3A_353 = tpu.memref_squeeze %swap3A_352 : memref<1x128x64xf32, #tpu.memory_space<vmem>> -> memref<128x64xf32, #tpu.memory_space<vmem>>
        %swap3A_354 = arith.index_cast %scan3A_329 : i32 to index
        %swap3A_355 = arith.constant 16 : index
        %swap3A_356 = tpu.vector_load %swap3A_353[%swap3A_354, %swap3A_355] {strides = array<i32>} : memref<128x64xf32, #tpu.memory_space<vmem>>, vector<1x16xf32>,
        %swap3A_357 = vector.shape_cast %swap3A_356 : vector<1x16xf32> to vector<16xf32>
        %swap3A_358 = vector.shape_cast %get3A_349 : vector<16xf32> to vector<1x16xf32>
        tpu.vector_store %swap3A_353[%swap3A_354, %swap3A_355], %swap3A_358 {add = true, strides = array<i32>} : memref<128x64xf32, #tpu.memory_space<vmem>>, vector<1x16xf32>,
        %get3A_359 = arith.index_cast %rem3A_332 : i32 to index
        %get3A_360 = arith.constant 32 : index
        %get3A_361 = tpu.vector_load %arg7[%get3A_359, %get3A_360] {strides = array<i32>} : memref<200x64xf32, #tpu.memory_space<vmem>>, vector<1x16xf32>,
        %get3A_362 = vector.shape_cast %get3A_361 : vector<1x16xf32> to vector<16xf32>
        %swap3A_363 = arith.constant 0 : i32
        %swap3A_364 = arith.constant 0 : i32
        %swap3A_365 = tpu.memref_slice %arg8[%scan3A_126, %swap3A_363, %swap3A_364] : memref<4x128x64xf32, #tpu.memory_space<vmem>> -> memref<1x128x64xf32, #tpu.memory_space<vmem>>
        %swap3A_366 = tpu.memref_squeeze %swap3A_365 : memref<1x128x64xf32, #tpu.memory_space<vmem>> -> memref<128x64xf32, #tpu.memory_space<vmem>>
        %swap3A_367 = arith.index_cast %scan3A_329 : i32 to index
        %swap3A_368 = arith.constant 32 : index
        %swap3A_369 = tpu.vector_load %swap3A_366[%swap3A_367, %swap3A_368] {strides = array<i32>} : memref<128x64xf32, #tpu.memory_space<vmem>>, vector<1x16xf32>,
        %swap3A_370 = vector.shape_cast %swap3A_369 : vector<1x16xf32> to vector<16xf32>
        %swap3A_371 = vector.shape_cast %get3A_362 : vector<16xf32> to vector<1x16xf32>
        tpu.vector_store %swap3A_366[%swap3A_367, %swap3A_368], %swap3A_371 {add = true, strides = array<i32>} : memref<128x64xf32, #tpu.memory_space<vmem>>, vector<1x16xf32>,
        %get3A_372 = arith.index_cast %rem3A_332 : i32 to index
        %get3A_373 = arith.constant 48 : index
        %get3A_374 = tpu.vector_load %arg7[%get3A_372, %get3A_373] {strides = array<i32>} : memref<200x64xf32, #tpu.memory_space<vmem>>, vector<1x16xf32>,
        %get3A_375 = vector.shape_cast %get3A_374 : vector<1x16xf32> to vector<16xf32>
        %swap3A_376 = arith.constant 0 : i32
        %swap3A_377 = arith.constant 0 : i32
        %swap3A_378 = tpu.memref_slice %arg8[%scan3A_126, %swap3A_376, %swap3A_377] : memref<4x128x64xf32, #tpu.memory_space<vmem>> -> memref<1x128x64xf32, #tpu.memory_space<vmem>>
        %swap3A_379 = tpu.memref_squeeze %swap3A_378 : memref<1x128x64xf32, #tpu.memory_space<vmem>> -> memref<128x64xf32, #tpu.memory_space<vmem>>
        %swap3A_380 = arith.index_cast %scan3A_329 : i32 to index
        %swap3A_381 = arith.constant 48 : index
        %swap3A_382 = tpu.vector_load %swap3A_379[%swap3A_380, %swap3A_381] {strides = array<i32>} : memref<128x64xf32, #tpu.memory_space<vmem>>, vector<1x16xf32>,
        %swap3A_383 = vector.shape_cast %swap3A_382 : vector<1x16xf32> to vector<16xf32>
        %swap3A_384 = vector.shape_cast %get3A_375 : vector<16xf32> to vector<1x16xf32>
        tpu.vector_store %swap3A_379[%swap3A_380, %swap3A_381], %swap3A_384 {add = true, strides = array<i32>} : memref<128x64xf32, #tpu.memory_space<vmem>>, vector<1x16xf32>,
        %scan3A_385 = arith.constant 0 : i32
        scf.yield %scan3A_385 : i32
      }
      %scan3A_133 = arith.constant 128 : i32
      %mul3A_134 = arith.constant 128 : i32
      %mul3A_135 = arith.muli %add3A_110, %mul3A_134 : i32
      %add3A_136 = arith.addi %mul3A_2, %mul3A_135 : i32
      %dma_start3A_137 = arith.constant 1 : i32
      %dma_start3A_138 = arith.constant 0 : i32
      %dma_start3A_139 = arith.constant 0 : i32
      %dma_start3A_140 = tpu.memref_slice %arg8[%dma_start3A_137, %dma_start3A_138, %dma_start3A_139] : memref<4x128x64xf32, #tpu.memory_space<vmem>> -> memref<1x128x64xf32, #tpu.memory_space<vmem>>
      %dma_start3A_141 = tpu.memref_squeeze %dma_start3A_140 : memref<1x128x64xf32, #tpu.memory_space<vmem>> -> memref<128x64xf32, #tpu.memory_space<vmem>>
      %dma_start3A_142 = arith.constant 0 : i32
      %dma_start3A_143 = tpu.memref_slice %arg5[%add3A_136, %dma_start3A_142] : memref<819200x64xf32, #tpu.memory_space<hbm>> -> memref<128x64xf32, #tpu.memory_space<hbm>>
      %dma_start3A_144 = arith.constant 0 : i32
      %dma_start3A_145 = tpu.memref_slice %arg5[%add3A_136, %dma_start3A_144] : memref<819200x64xf32, #tpu.memory_space<hbm>> -> memref<128x64xf32, #tpu.memory_space<hbm>>
      %dma_start3A_146 = arith.constant 0 : i32
      %dma_start3A_147 = arith.constant 0 : i32
      %dma_start3A_148 = tpu.memref_slice %arg8[%dma_start3A_137, %dma_start3A_146, %dma_start3A_147] : memref<4x128x64xf32, #tpu.memory_space<vmem>> -> memref<1x128x64xf32, #tpu.memory_space<vmem>>
      %dma_start3A_149 = tpu.memref_squeeze %dma_start3A_148 : memref<1x128x64xf32, #tpu.memory_space<vmem>> -> memref<128x64xf32, #tpu.memory_space<vmem>>
      tpu.enqueue_dma source(%dma_start3A_149 : memref<128x64xf32, #tpu.memory_space<vmem>>) target(%dma_start3A_145 : memref<128x64xf32, #tpu.memory_space<hbm>>) target_semaphore(%arg14 : memref<!tpu.dma_semaphore, #tpu.memory_space<semaphore_mem>>)
      %ge3A_150 = arith.constant 2 : i32
      %ge3A_151 = arith.cmpi sge, %add3A_110, %ge3A_150 : i32
      %convert_element_type3A_152 = arith.extui %ge3A_151 : i1 to i32
      %cond3A_153 = arith.constant 0 : i32
      %cond3A_154 = arith.cmpi ne, %convert_element_type3A_152, %cond3A_153 : i32
      scf.if %cond3A_154 {
        %sub3A = arith.constant 2 : i32
        %sub3A_272 = arith.subi %add3A_110, %sub3A : i32
        %mul3A_273 = arith.constant 128 : i32
        %mul3A_274 = arith.muli %sub3A_272, %mul3A_273 : i32
        %add3A_275 = arith.addi %mul3A_2, %mul3A_274 : i32
        %dma_wait3A_276 = arith.constant 3 : i32
        %dma_wait3A_277 = arith.constant 0 : i32
        %dma_wait3A_278 = arith.constant 0 : i32
        %dma_wait3A_279 = tpu.memref_slice %arg8[%dma_wait3A_276, %dma_wait3A_277, %dma_wait3A_278] : memref<4x128x64xf32, #tpu.memory_space<vmem>> -> memref<1x128x64xf32, #tpu.memory_space<vmem>>
        %dma_wait3A_280 = tpu.memref_squeeze %dma_wait3A_279 : memref<1x128x64xf32, #tpu.memory_space<vmem>> -> memref<128x64xf32, #tpu.memory_space<vmem>>
        %dma_wait3A_281 = arith.constant 0 : i32
        %dma_wait3A_282 = tpu.memref_slice %arg5[%add3A_275, %dma_wait3A_281] : memref<819200x64xf32, #tpu.memory_space<hbm>> -> memref<128x64xf32, #tpu.memory_space<hbm>>
        %dma_wait3A_283 = arith.constant 0 : i32
        %dma_wait3A_284 = tpu.memref_slice %arg5[%add3A_275, %dma_wait3A_283] : memref<819200x64xf32, #tpu.memory_space<hbm>> -> memref<128x64xf32, #tpu.memory_space<hbm>>
        %dma_wait3A_285 = arith.constant 0 : i32
        %dma_wait3A_286 = arith.constant 0 : i32
        %dma_wait3A_287 = tpu.memref_slice %arg8[%dma_wait3A_276, %dma_wait3A_285, %dma_wait3A_286] : memref<4x128x64xf32, #tpu.memory_space<vmem>> -> memref<1x128x64xf32, #tpu.memory_space<vmem>>
        %dma_wait3A_288 = tpu.memref_squeeze %dma_wait3A_287 : memref<1x128x64xf32, #tpu.memory_space<vmem>> -> memref<128x64xf32, #tpu.memory_space<vmem>>
        tpu.wait_dma2 semaphore(%arg16 : memref<!tpu.dma_semaphore, #tpu.memory_space<semaphore_mem>>) src(%dma_wait3A_288 : memref<128x64xf32, #tpu.memory_space<vmem>>) dst(%dma_wait3A_284 : memref<128x64xf32, #tpu.memory_space<hbm>>)
      } else {
      }
      %add3A_155 = arith.constant 2 : i32
      %add3A_156 = arith.addi %add3A_110, %add3A_155 : i32
      %lt3A_157 = arith.constant 200 : i32
      %lt3A_158 = arith.cmpi slt, %add3A_156, %lt3A_157 : i32
      %convert_element_type3A_159 = arith.extui %lt3A_158 : i1 to i32
      %cond3A_160 = arith.constant 0 : i32
      %cond3A_161 = arith.cmpi ne, %convert_element_type3A_159, %cond3A_160 : i32
      scf.if %cond3A_161 {
        %add3A_272 = arith.constant 2 : i32
        %add3A_273 = arith.addi %add3A_110, %add3A_272 : i32
        %mul3A_274 = arith.constant 128 : i32
        %mul3A_275 = arith.muli %add3A_273, %mul3A_274 : i32
        %dma_start3A_276 = arith.constant 3 : i32
        %dma_start3A_277 = arith.constant 0 : i32
        %dma_start3A_278 = arith.constant 0 : i32
        %dma_start3A_279 = tpu.memref_slice %arg8[%dma_start3A_276, %dma_start3A_277, %dma_start3A_278] : memref<4x128x64xf32, #tpu.memory_space<vmem>> -> memref<1x128x64xf32, #tpu.memory_space<vmem>>
        %dma_start3A_280 = tpu.memref_squeeze %dma_start3A_279 : memref<1x128x64xf32, #tpu.memory_space<vmem>> -> memref<128x64xf32, #tpu.memory_space<vmem>>
        %dma_start3A_281 = tpu.memref_slice %arg6[%mul3A_275] : memref<25600xi32, #tpu.memory_space<vmem>> -> memref<128xi32, #tpu.memory_space<vmem>>
        %dma_start3A_282 = arith.constant 0 : i32
        %dma_start3A_283 = arith.constant 0 : i32
        %dma_start3A_284 = tpu.memref_slice %arg3[%dma_start3A_282, %dma_start3A_283] : memref<1000000x64xf32, #tpu.memory_space<hbm>> -> memref<1000000x64xf32, #tpu.memory_space<hbm>>
        tpu.enqueue_indirect_dma source(%dma_start3A_284 : memref<1000000x64xf32, #tpu.memory_space<hbm>>) target(%dma_start3A_280 : memref<128x64xf32, #tpu.memory_space<vmem>>) offsets(%dma_start3A_281 : memref<128xi32, #tpu.memory_space<vmem>>) semaphore(%arg12 : memref<!tpu.dma_semaphore, #tpu.memory_space<semaphore_mem>>)
      } else {
      }
      %mul3A_162 = arith.constant 4 : i32
      %mul3A_163 = arith.muli %scan3A_56, %mul3A_162 : i32
      %add3A_164 = arith.constant 2 : i32
      %add3A_165 = arith.addi %mul3A_163, %add3A_164 : i32
      %mul3A_166 = arith.constant 128 : i32
      %mul3A_167 = arith.muli %add3A_165, %mul3A_166 : i32
      %dma_wait3A_168 = arith.constant 2 : i32
      %dma_wait3A_169 = arith.constant 0 : i32
      %dma_wait3A_170 = arith.constant 0 : i32
      %dma_wait3A_171 = tpu.memref_slice %arg8[%dma_wait3A_168, %dma_wait3A_169, %dma_wait3A_170] : memref<4x128x64xf32, #tpu.memory_space<vmem>> -> memref<1x128x64xf32, #tpu.memory_space<vmem>>
      %dma_wait3A_172 = tpu.memref_squeeze %dma_wait3A_171 : memref<1x128x64xf32, #tpu.memory_space<vmem>> -> memref<128x64xf32, #tpu.memory_space<vmem>>
      %dma_wait3A_173 = tpu.memref_slice %arg6[%mul3A_167] : memref<25600xi32, #tpu.memory_space<vmem>> -> memref<128xi32, #tpu.memory_space<vmem>>
      %dma_wait3A_174 = arith.constant 0 : i32
      %dma_wait3A_175 = arith.constant 0 : i32
      %dma_wait3A_176 = tpu.memref_slice %arg3[%dma_wait3A_174, %dma_wait3A_175] : memref<1000000x64xf32, #tpu.memory_space<hbm>> -> memref<1000000x64xf32, #tpu.memory_space<hbm>>
      tpu.wait_indirect_dma semaphore(%arg11 : memref<!tpu.dma_semaphore, #tpu.memory_space<semaphore_mem>>) src(%dma_wait3A_176 : memref<1000000x64xf32, #tpu.memory_space<hbm>>) dst(%dma_wait3A_172 : memref<128x64xf32, #tpu.memory_space<vmem>>)
      %mul3A_177 = arith.constant 128 : i32
      %mul3A_178 = arith.muli %add3A_165, %mul3A_177 : i32
      %rem3A_179 = arith.constant 200 : i32
      %rem3A_180 = arith.remsi %mul3A_178, %rem3A_179 : i32
      %scan3A_181 = arith.constant 2 : i32
      %scan3A_182 = arith.constant 0 : i32
      %scan3A_183 = arith.constant 0 : i32
      %scan3A_184 = arith.constant 128 : i32
      %scan3A_185 = arith.addi %scan3A_183, %scan3A_184 : i32
      %scan3A_186 = arith.constant 2 : i32
      %scan3A_187 = scf.for %scan3A_272 = %scan3A_183 to %scan3A_185 step %scan3A_186 iter_args(%scan3A_273 = %scan3A_182) -> (i32)  : i32 {
        %add3A_274 = arith.addi %rem3A_180, %scan3A_272 : i32
        %rem3A_275 = arith.constant 200 : i32
        %rem3A_276 = arith.remsi %add3A_274, %rem3A_275 : i32
        %get3A = arith.index_cast %rem3A_276 : i32 to index
        %get3A_277 = arith.constant 0 : index
        %get3A_278 = tpu.vector_load %arg7[%get3A, %get3A_277] {strides = array<i32>} : memref<200x64xf32, #tpu.memory_space<vmem>>, vector<1x16xf32>,
        %get3A_279 = vector.shape_cast %get3A_278 : vector<1x16xf32> to vector<16xf32>
        %swap3A = arith.constant 0 : i32
        %swap3A_280 = arith.constant 0 : i32
        %swap3A_281 = tpu.memref_slice %arg8[%scan3A_181, %swap3A, %swap3A_280] : memref<4x128x64xf32, #tpu.memory_space<vmem>> -> memref<1x128x64xf32, #tpu.memory_space<vmem>>
        %swap3A_282 = tpu.memref_squeeze %swap3A_281 : memref<1x128x64xf32, #tpu.memory_space<vmem>> -> memref<128x64xf32, #tpu.memory_space<vmem>>
        %swap3A_283 = arith.index_cast %scan3A_272 : i32 to index
        %swap3A_284 = arith.constant 0 : index
        %swap3A_285 = tpu.vector_load %swap3A_282[%swap3A_283, %swap3A_284] {strides = array<i32>} : memref<128x64xf32, #tpu.memory_space<vmem>>, vector<1x16xf32>,
        %swap3A_286 = vector.shape_cast %swap3A_285 : vector<1x16xf32> to vector<16xf32>
        %swap3A_287 = vector.shape_cast %get3A_279 : vector<16xf32> to vector<1x16xf32>
        tpu.vector_store %swap3A_282[%swap3A_283, %swap3A_284], %swap3A_287 {add = true, strides = array<i32>} : memref<128x64xf32, #tpu.memory_space<vmem>>, vector<1x16xf32>,
        %get3A_288 = arith.index_cast %rem3A_276 : i32 to index
        %get3A_289 = arith.constant 16 : index
        %get3A_290 = tpu.vector_load %arg7[%get3A_288, %get3A_289] {strides = array<i32>} : memref<200x64xf32, #tpu.memory_space<vmem>>, vector<1x16xf32>,
        %get3A_291 = vector.shape_cast %get3A_290 : vector<1x16xf32> to vector<16xf32>
        %swap3A_292 = arith.constant 0 : i32
        %swap3A_293 = arith.constant 0 : i32
        %swap3A_294 = tpu.memref_slice %arg8[%scan3A_181, %swap3A_292, %swap3A_293] : memref<4x128x64xf32, #tpu.memory_space<vmem>> -> memref<1x128x64xf32, #tpu.memory_space<vmem>>
        %swap3A_295 = tpu.memref_squeeze %swap3A_294 : memref<1x128x64xf32, #tpu.memory_space<vmem>> -> memref<128x64xf32, #tpu.memory_space<vmem>>
        %swap3A_296 = arith.index_cast %scan3A_272 : i32 to index
        %swap3A_297 = arith.constant 16 : index
        %swap3A_298 = tpu.vector_load %swap3A_295[%swap3A_296, %swap3A_297] {strides = array<i32>} : memref<128x64xf32, #tpu.memory_space<vmem>>, vector<1x16xf32>,
        %swap3A_299 = vector.shape_cast %swap3A_298 : vector<1x16xf32> to vector<16xf32>
        %swap3A_300 = vector.shape_cast %get3A_291 : vector<16xf32> to vector<1x16xf32>
        tpu.vector_store %swap3A_295[%swap3A_296, %swap3A_297], %swap3A_300 {add = true, strides = array<i32>} : memref<128x64xf32, #tpu.memory_space<vmem>>, vector<1x16xf32>,
        %get3A_301 = arith.index_cast %rem3A_276 : i32 to index
        %get3A_302 = arith.constant 32 : index
        %get3A_303 = tpu.vector_load %arg7[%get3A_301, %get3A_302] {strides = array<i32>} : memref<200x64xf32, #tpu.memory_space<vmem>>, vector<1x16xf32>,
        %get3A_304 = vector.shape_cast %get3A_303 : vector<1x16xf32> to vector<16xf32>
        %swap3A_305 = arith.constant 0 : i32
        %swap3A_306 = arith.constant 0 : i32
        %swap3A_307 = tpu.memref_slice %arg8[%scan3A_181, %swap3A_305, %swap3A_306] : memref<4x128x64xf32, #tpu.memory_space<vmem>> -> memref<1x128x64xf32, #tpu.memory_space<vmem>>
        %swap3A_308 = tpu.memref_squeeze %swap3A_307 : memref<1x128x64xf32, #tpu.memory_space<vmem>> -> memref<128x64xf32, #tpu.memory_space<vmem>>
        %swap3A_309 = arith.index_cast %scan3A_272 : i32 to index
        %swap3A_310 = arith.constant 32 : index
        %swap3A_311 = tpu.vector_load %swap3A_308[%swap3A_309, %swap3A_310] {strides = array<i32>} : memref<128x64xf32, #tpu.memory_space<vmem>>, vector<1x16xf32>,
        %swap3A_312 = vector.shape_cast %swap3A_311 : vector<1x16xf32> to vector<16xf32>
        %swap3A_313 = vector.shape_cast %get3A_304 : vector<16xf32> to vector<1x16xf32>
        tpu.vector_store %swap3A_308[%swap3A_309, %swap3A_310], %swap3A_313 {add = true, strides = array<i32>} : memref<128x64xf32, #tpu.memory_space<vmem>>, vector<1x16xf32>,
        %get3A_314 = arith.index_cast %rem3A_276 : i32 to index
        %get3A_315 = arith.constant 48 : index
        %get3A_316 = tpu.vector_load %arg7[%get3A_314, %get3A_315] {strides = array<i32>} : memref<200x64xf32, #tpu.memory_space<vmem>>, vector<1x16xf32>,
        %get3A_317 = vector.shape_cast %get3A_316 : vector<1x16xf32> to vector<16xf32>
        %swap3A_318 = arith.constant 0 : i32
        %swap3A_319 = arith.constant 0 : i32
        %swap3A_320 = tpu.memref_slice %arg8[%scan3A_181, %swap3A_318, %swap3A_319] : memref<4x128x64xf32, #tpu.memory_space<vmem>> -> memref<1x128x64xf32, #tpu.memory_space<vmem>>
        %swap3A_321 = tpu.memref_squeeze %swap3A_320 : memref<1x128x64xf32, #tpu.memory_space<vmem>> -> memref<128x64xf32, #tpu.memory_space<vmem>>
        %swap3A_322 = arith.index_cast %scan3A_272 : i32 to index
        %swap3A_323 = arith.constant 48 : index
        %swap3A_324 = tpu.vector_load %swap3A_321[%swap3A_322, %swap3A_323] {strides = array<i32>} : memref<128x64xf32, #tpu.memory_space<vmem>>, vector<1x16xf32>,
        %swap3A_325 = vector.shape_cast %swap3A_324 : vector<1x16xf32> to vector<16xf32>
        %swap3A_326 = vector.shape_cast %get3A_317 : vector<16xf32> to vector<1x16xf32>
        tpu.vector_store %swap3A_321[%swap3A_322, %swap3A_323], %swap3A_326 {add = true, strides = array<i32>} : memref<128x64xf32, #tpu.memory_space<vmem>>, vector<1x16xf32>,
        %scan3A_327 = arith.constant 0 : i32
        %scan3A_328 = arith.constant 1 : i32
        %scan3A_329 = arith.addi %scan3A_272, %scan3A_328 : i32
        %add3A_330 = arith.addi %rem3A_180, %scan3A_329 : i32
        %rem3A_331 = arith.constant 200 : i32
        %rem3A_332 = arith.remsi %add3A_330, %rem3A_331 : i32
        %get3A_333 = arith.index_cast %rem3A_332 : i32 to index
        %get3A_334 = arith.constant 0 : index
        %get3A_335 = tpu.vector_load %arg7[%get3A_333, %get3A_334] {strides = array<i32>} : memref<200x64xf32, #tpu.memory_space<vmem>>, vector<1x16xf32>,
        %get3A_336 = vector.shape_cast %get3A_335 : vector<1x16xf32> to vector<16xf32>
        %swap3A_337 = arith.constant 0 : i32
        %swap3A_338 = arith.constant 0 : i32
        %swap3A_339 = tpu.memref_slice %arg8[%scan3A_181, %swap3A_337, %swap3A_338] : memref<4x128x64xf32, #tpu.memory_space<vmem>> -> memref<1x128x64xf32, #tpu.memory_space<vmem>>
        %swap3A_340 = tpu.memref_squeeze %swap3A_339 : memref<1x128x64xf32, #tpu.memory_space<vmem>> -> memref<128x64xf32, #tpu.memory_space<vmem>>
        %swap3A_341 = arith.index_cast %scan3A_329 : i32 to index
        %swap3A_342 = arith.constant 0 : index
        %swap3A_343 = tpu.vector_load %swap3A_340[%swap3A_341, %swap3A_342] {strides = array<i32>} : memref<128x64xf32, #tpu.memory_space<vmem>>, vector<1x16xf32>,
        %swap3A_344 = vector.shape_cast %swap3A_343 : vector<1x16xf32> to vector<16xf32>
        %swap3A_345 = vector.shape_cast %get3A_336 : vector<16xf32> to vector<1x16xf32>
        tpu.vector_store %swap3A_340[%swap3A_341, %swap3A_342], %swap3A_345 {add = true, strides = array<i32>} : memref<128x64xf32, #tpu.memory_space<vmem>>, vector<1x16xf32>,
        %get3A_346 = arith.index_cast %rem3A_332 : i32 to index
        %get3A_347 = arith.constant 16 : index
        %get3A_348 = tpu.vector_load %arg7[%get3A_346, %get3A_347] {strides = array<i32>} : memref<200x64xf32, #tpu.memory_space<vmem>>, vector<1x16xf32>,
        %get3A_349 = vector.shape_cast %get3A_348 : vector<1x16xf32> to vector<16xf32>
        %swap3A_350 = arith.constant 0 : i32
        %swap3A_351 = arith.constant 0 : i32
        %swap3A_352 = tpu.memref_slice %arg8[%scan3A_181, %swap3A_350, %swap3A_351] : memref<4x128x64xf32, #tpu.memory_space<vmem>> -> memref<1x128x64xf32, #tpu.memory_space<vmem>>
        %swap3A_353 = tpu.memref_squeeze %swap3A_352 : memref<1x128x64xf32, #tpu.memory_space<vmem>> -> memref<128x64xf32, #tpu.memory_space<vmem>>
        %swap3A_354 = arith.index_cast %scan3A_329 : i32 to index
        %swap3A_355 = arith.constant 16 : index
        %swap3A_356 = tpu.vector_load %swap3A_353[%swap3A_354, %swap3A_355] {strides = array<i32>} : memref<128x64xf32, #tpu.memory_space<vmem>>, vector<1x16xf32>,
        %swap3A_357 = vector.shape_cast %swap3A_356 : vector<1x16xf32> to vector<16xf32>
        %swap3A_358 = vector.shape_cast %get3A_349 : vector<16xf32> to vector<1x16xf32>
        tpu.vector_store %swap3A_353[%swap3A_354, %swap3A_355], %swap3A_358 {add = true, strides = array<i32>} : memref<128x64xf32, #tpu.memory_space<vmem>>, vector<1x16xf32>,
        %get3A_359 = arith.index_cast %rem3A_332 : i32 to index
        %get3A_360 = arith.constant 32 : index
        %get3A_361 = tpu.vector_load %arg7[%get3A_359, %get3A_360] {strides = array<i32>} : memref<200x64xf32, #tpu.memory_space<vmem>>, vector<1x16xf32>,
        %get3A_362 = vector.shape_cast %get3A_361 : vector<1x16xf32> to vector<16xf32>
        %swap3A_363 = arith.constant 0 : i32
        %swap3A_364 = arith.constant 0 : i32
        %swap3A_365 = tpu.memref_slice %arg8[%scan3A_181, %swap3A_363, %swap3A_364] : memref<4x128x64xf32, #tpu.memory_space<vmem>> -> memref<1x128x64xf32, #tpu.memory_space<vmem>>
        %swap3A_366 = tpu.memref_squeeze %swap3A_365 : memref<1x128x64xf32, #tpu.memory_space<vmem>> -> memref<128x64xf32, #tpu.memory_space<vmem>>
        %swap3A_367 = arith.index_cast %scan3A_329 : i32 to index
        %swap3A_368 = arith.constant 32 : index
        %swap3A_369 = tpu.vector_load %swap3A_366[%swap3A_367, %swap3A_368] {strides = array<i32>} : memref<128x64xf32, #tpu.memory_space<vmem>>, vector<1x16xf32>,
        %swap3A_370 = vector.shape_cast %swap3A_369 : vector<1x16xf32> to vector<16xf32>
        %swap3A_371 = vector.shape_cast %get3A_362 : vector<16xf32> to vector<1x16xf32>
        tpu.vector_store %swap3A_366[%swap3A_367, %swap3A_368], %swap3A_371 {add = true, strides = array<i32>} : memref<128x64xf32, #tpu.memory_space<vmem>>, vector<1x16xf32>,
        %get3A_372 = arith.index_cast %rem3A_332 : i32 to index
        %get3A_373 = arith.constant 48 : index
        %get3A_374 = tpu.vector_load %arg7[%get3A_372, %get3A_373] {strides = array<i32>} : memref<200x64xf32, #tpu.memory_space<vmem>>, vector<1x16xf32>,
        %get3A_375 = vector.shape_cast %get3A_374 : vector<1x16xf32> to vector<16xf32>
        %swap3A_376 = arith.constant 0 : i32
        %swap3A_377 = arith.constant 0 : i32
        %swap3A_378 = tpu.memref_slice %arg8[%scan3A_181, %swap3A_376, %swap3A_377] : memref<4x128x64xf32, #tpu.memory_space<vmem>> -> memref<1x128x64xf32, #tpu.memory_space<vmem>>
        %swap3A_379 = tpu.memref_squeeze %swap3A_378 : memref<1x128x64xf32, #tpu.memory_space<vmem>> -> memref<128x64xf32, #tpu.memory_space<vmem>>
        %swap3A_380 = arith.index_cast %scan3A_329 : i32 to index
        %swap3A_381 = arith.constant 48 : index
        %swap3A_382 = tpu.vector_load %swap3A_379[%swap3A_380, %swap3A_381] {strides = array<i32>} : memref<128x64xf32, #tpu.memory_space<vmem>>, vector<1x16xf32>,
        %swap3A_383 = vector.shape_cast %swap3A_382 : vector<1x16xf32> to vector<16xf32>
        %swap3A_384 = vector.shape_cast %get3A_375 : vector<16xf32> to vector<1x16xf32>
        tpu.vector_store %swap3A_379[%swap3A_380, %swap3A_381], %swap3A_384 {add = true, strides = array<i32>} : memref<128x64xf32, #tpu.memory_space<vmem>>, vector<1x16xf32>,
        %scan3A_385 = arith.constant 0 : i32
        scf.yield %scan3A_385 : i32
      }
      %scan3A_188 = arith.constant 128 : i32
      %mul3A_189 = arith.constant 128 : i32
      %mul3A_190 = arith.muli %add3A_165, %mul3A_189 : i32
      %add3A_191 = arith.addi %mul3A_2, %mul3A_190 : i32
      %dma_start3A_192 = arith.constant 2 : i32
      %dma_start3A_193 = arith.constant 0 : i32
      %dma_start3A_194 = arith.constant 0 : i32
      %dma_start3A_195 = tpu.memref_slice %arg8[%dma_start3A_192, %dma_start3A_193, %dma_start3A_194] : memref<4x128x64xf32, #tpu.memory_space<vmem>> -> memref<1x128x64xf32, #tpu.memory_space<vmem>>
      %dma_start3A_196 = tpu.memref_squeeze %dma_start3A_195 : memref<1x128x64xf32, #tpu.memory_space<vmem>> -> memref<128x64xf32, #tpu.memory_space<vmem>>
      %dma_start3A_197 = arith.constant 0 : i32
      %dma_start3A_198 = tpu.memref_slice %arg5[%add3A_191, %dma_start3A_197] : memref<819200x64xf32, #tpu.memory_space<hbm>> -> memref<128x64xf32, #tpu.memory_space<hbm>>
      %dma_start3A_199 = arith.constant 0 : i32
      %dma_start3A_200 = tpu.memref_slice %arg5[%add3A_191, %dma_start3A_199] : memref<819200x64xf32, #tpu.memory_space<hbm>> -> memref<128x64xf32, #tpu.memory_space<hbm>>
      %dma_start3A_201 = arith.constant 0 : i32
      %dma_start3A_202 = arith.constant 0 : i32
      %dma_start3A_203 = tpu.memref_slice %arg8[%dma_start3A_192, %dma_start3A_201, %dma_start3A_202] : memref<4x128x64xf32, #tpu.memory_space<vmem>> -> memref<1x128x64xf32, #tpu.memory_space<vmem>>
      %dma_start3A_204 = tpu.memref_squeeze %dma_start3A_203 : memref<1x128x64xf32, #tpu.memory_space<vmem>> -> memref<128x64xf32, #tpu.memory_space<vmem>>
      tpu.enqueue_dma source(%dma_start3A_204 : memref<128x64xf32, #tpu.memory_space<vmem>>) target(%dma_start3A_200 : memref<128x64xf32, #tpu.memory_space<hbm>>) target_semaphore(%arg15 : memref<!tpu.dma_semaphore, #tpu.memory_space<semaphore_mem>>)
      %ge3A_205 = arith.constant 2 : i32
      %ge3A_206 = arith.cmpi sge, %add3A_165, %ge3A_205 : i32
      %convert_element_type3A_207 = arith.extui %ge3A_206 : i1 to i32
      %cond3A_208 = arith.constant 0 : i32
      %cond3A_209 = arith.cmpi ne, %convert_element_type3A_207, %cond3A_208 : i32
      scf.if %cond3A_209 {
        %sub3A = arith.constant 2 : i32
        %sub3A_272 = arith.subi %add3A_165, %sub3A : i32
        %mul3A_273 = arith.constant 128 : i32
        %mul3A_274 = arith.muli %sub3A_272, %mul3A_273 : i32
        %add3A_275 = arith.addi %mul3A_2, %mul3A_274 : i32
        %dma_wait3A_276 = arith.constant 0 : i32
        %dma_wait3A_277 = arith.constant 0 : i32
        %dma_wait3A_278 = arith.constant 0 : i32
        %dma_wait3A_279 = tpu.memref_slice %arg8[%dma_wait3A_276, %dma_wait3A_277, %dma_wait3A_278] : memref<4x128x64xf32, #tpu.memory_space<vmem>> -> memref<1x128x64xf32, #tpu.memory_space<vmem>>
        %dma_wait3A_280 = tpu.memref_squeeze %dma_wait3A_279 : memref<1x128x64xf32, #tpu.memory_space<vmem>> -> memref<128x64xf32, #tpu.memory_space<vmem>>
        %dma_wait3A_281 = arith.constant 0 : i32
        %dma_wait3A_282 = tpu.memref_slice %arg5[%add3A_275, %dma_wait3A_281] : memref<819200x64xf32, #tpu.memory_space<hbm>> -> memref<128x64xf32, #tpu.memory_space<hbm>>
        %dma_wait3A_283 = arith.constant 0 : i32
        %dma_wait3A_284 = tpu.memref_slice %arg5[%add3A_275, %dma_wait3A_283] : memref<819200x64xf32, #tpu.memory_space<hbm>> -> memref<128x64xf32, #tpu.memory_space<hbm>>
        %dma_wait3A_285 = arith.constant 0 : i32
        %dma_wait3A_286 = arith.constant 0 : i32
        %dma_wait3A_287 = tpu.memref_slice %arg8[%dma_wait3A_276, %dma_wait3A_285, %dma_wait3A_286] : memref<4x128x64xf32, #tpu.memory_space<vmem>> -> memref<1x128x64xf32, #tpu.memory_space<vmem>>
        %dma_wait3A_288 = tpu.memref_squeeze %dma_wait3A_287 : memref<1x128x64xf32, #tpu.memory_space<vmem>> -> memref<128x64xf32, #tpu.memory_space<vmem>>
        tpu.wait_dma2 semaphore(%arg13 : memref<!tpu.dma_semaphore, #tpu.memory_space<semaphore_mem>>) src(%dma_wait3A_288 : memref<128x64xf32, #tpu.memory_space<vmem>>) dst(%dma_wait3A_284 : memref<128x64xf32, #tpu.memory_space<hbm>>)
      } else {
      }
      %add3A_210 = arith.constant 2 : i32
      %add3A_211 = arith.addi %add3A_165, %add3A_210 : i32
      %lt3A_212 = arith.constant 200 : i32
      %lt3A_213 = arith.cmpi slt, %add3A_211, %lt3A_212 : i32
      %convert_element_type3A_214 = arith.extui %lt3A_213 : i1 to i32
      %cond3A_215 = arith.constant 0 : i32
      %cond3A_216 = arith.cmpi ne, %convert_element_type3A_214, %cond3A_215 : i32
      scf.if %cond3A_216 {
        %add3A_272 = arith.constant 2 : i32
        %add3A_273 = arith.addi %add3A_165, %add3A_272 : i32
        %mul3A_274 = arith.constant 128 : i32
        %mul3A_275 = arith.muli %add3A_273, %mul3A_274 : i32
        %dma_start3A_276 = arith.constant 0 : i32
        %dma_start3A_277 = arith.constant 0 : i32
        %dma_start3A_278 = arith.constant 0 : i32
        %dma_start3A_279 = tpu.memref_slice %arg8[%dma_start3A_276, %dma_start3A_277, %dma_start3A_278] : memref<4x128x64xf32, #tpu.memory_space<vmem>> -> memref<1x128x64xf32, #tpu.memory_space<vmem>>
        %dma_start3A_280 = tpu.memref_squeeze %dma_start3A_279 : memref<1x128x64xf32, #tpu.memory_space<vmem>> -> memref<128x64xf32, #tpu.memory_space<vmem>>
        %dma_start3A_281 = tpu.memref_slice %arg6[%mul3A_275] : memref<25600xi32, #tpu.memory_space<vmem>> -> memref<128xi32, #tpu.memory_space<vmem>>
        %dma_start3A_282 = arith.constant 0 : i32
        %dma_start3A_283 = arith.constant 0 : i32
        %dma_start3A_284 = tpu.memref_slice %arg3[%dma_start3A_282, %dma_start3A_283] : memref<1000000x64xf32, #tpu.memory_space<hbm>> -> memref<1000000x64xf32, #tpu.memory_space<hbm>>
        tpu.enqueue_indirect_dma source(%dma_start3A_284 : memref<1000000x64xf32, #tpu.memory_space<hbm>>) target(%dma_start3A_280 : memref<128x64xf32, #tpu.memory_space<vmem>>) offsets(%dma_start3A_281 : memref<128xi32, #tpu.memory_space<vmem>>) semaphore(%arg9 : memref<!tpu.dma_semaphore, #tpu.memory_space<semaphore_mem>>)
      } else {
      }
      %mul3A_217 = arith.constant 4 : i32
      %mul3A_218 = arith.muli %scan3A_56, %mul3A_217 : i32
      %add3A_219 = arith.constant 3 : i32
      %add3A_220 = arith.addi %mul3A_218, %add3A_219 : i32
      %mul3A_221 = arith.constant 128 : i32
      %mul3A_222 = arith.muli %add3A_220, %mul3A_221 : i32
      %dma_wait3A_223 = arith.constant 3 : i32
      %dma_wait3A_224 = arith.constant 0 : i32
      %dma_wait3A_225 = arith.constant 0 : i32
      %dma_wait3A_226 = tpu.memref_slice %arg8[%dma_wait3A_223, %dma_wait3A_224, %dma_wait3A_225] : memref<4x128x64xf32, #tpu.memory_space<vmem>> -> memref<1x128x64xf32, #tpu.memory_space<vmem>>
      %dma_wait3A_227 = tpu.memref_squeeze %dma_wait3A_226 : memref<1x128x64xf32, #tpu.memory_space<vmem>> -> memref<128x64xf32, #tpu.memory_space<vmem>>
      %dma_wait3A_228 = tpu.memref_slice %arg6[%mul3A_222] : memref<25600xi32, #tpu.memory_space<vmem>> -> memref<128xi32, #tpu.memory_space<vmem>>
      %dma_wait3A_229 = arith.constant 0 : i32
      %dma_wait3A_230 = arith.constant 0 : i32
      %dma_wait3A_231 = tpu.memref_slice %arg3[%dma_wait3A_229, %dma_wait3A_230] : memref<1000000x64xf32, #tpu.memory_space<hbm>> -> memref<1000000x64xf32, #tpu.memory_space<hbm>>
      tpu.wait_indirect_dma semaphore(%arg12 : memref<!tpu.dma_semaphore, #tpu.memory_space<semaphore_mem>>) src(%dma_wait3A_231 : memref<1000000x64xf32, #tpu.memory_space<hbm>>) dst(%dma_wait3A_227 : memref<128x64xf32, #tpu.memory_space<vmem>>)
      %mul3A_232 = arith.constant 128 : i32
      %mul3A_233 = arith.muli %add3A_220, %mul3A_232 : i32
      %rem3A_234 = arith.constant 200 : i32
      %rem3A_235 = arith.remsi %mul3A_233, %rem3A_234 : i32
      %scan3A_236 = arith.constant 3 : i32
      %scan3A_237 = arith.constant 0 : i32
      %scan3A_238 = arith.constant 0 : i32
      %scan3A_239 = arith.constant 128 : i32
      %scan3A_240 = arith.addi %scan3A_238, %scan3A_239 : i32
      %scan3A_241 = arith.constant 2 : i32
      %scan3A_242 = scf.for %scan3A_272 = %scan3A_238 to %scan3A_240 step %scan3A_241 iter_args(%scan3A_273 = %scan3A_237) -> (i32)  : i32 {
        %add3A_274 = arith.addi %rem3A_235, %scan3A_272 : i32
        %rem3A_275 = arith.constant 200 : i32
        %rem3A_276 = arith.remsi %add3A_274, %rem3A_275 : i32
        %get3A = arith.index_cast %rem3A_276 : i32 to index
        %get3A_277 = arith.constant 0 : index
        %get3A_278 = tpu.vector_load %arg7[%get3A, %get3A_277] {strides = array<i32>} : memref<200x64xf32, #tpu.memory_space<vmem>>, vector<1x16xf32>,
        %get3A_279 = vector.shape_cast %get3A_278 : vector<1x16xf32> to vector<16xf32>
        %swap3A = arith.constant 0 : i32
        %swap3A_280 = arith.constant 0 : i32
        %swap3A_281 = tpu.memref_slice %arg8[%scan3A_236, %swap3A, %swap3A_280] : memref<4x128x64xf32, #tpu.memory_space<vmem>> -> memref<1x128x64xf32, #tpu.memory_space<vmem>>
        %swap3A_282 = tpu.memref_squeeze %swap3A_281 : memref<1x128x64xf32, #tpu.memory_space<vmem>> -> memref<128x64xf32, #tpu.memory_space<vmem>>
        %swap3A_283 = arith.index_cast %scan3A_272 : i32 to index
        %swap3A_284 = arith.constant 0 : index
        %swap3A_285 = tpu.vector_load %swap3A_282[%swap3A_283, %swap3A_284] {strides = array<i32>} : memref<128x64xf32, #tpu.memory_space<vmem>>, vector<1x16xf32>,
        %swap3A_286 = vector.shape_cast %swap3A_285 : vector<1x16xf32> to vector<16xf32>
        %swap3A_287 = vector.shape_cast %get3A_279 : vector<16xf32> to vector<1x16xf32>
        tpu.vector_store %swap3A_282[%swap3A_283, %swap3A_284], %swap3A_287 {add = true, strides = array<i32>} : memref<128x64xf32, #tpu.memory_space<vmem>>, vector<1x16xf32>,
        %get3A_288 = arith.index_cast %rem3A_276 : i32 to index
        %get3A_289 = arith.constant 16 : index
        %get3A_290 = tpu.vector_load %arg7[%get3A_288, %get3A_289] {strides = array<i32>} : memref<200x64xf32, #tpu.memory_space<vmem>>, vector<1x16xf32>,
        %get3A_291 = vector.shape_cast %get3A_290 : vector<1x16xf32> to vector<16xf32>
        %swap3A_292 = arith.constant 0 : i32
        %swap3A_293 = arith.constant 0 : i32
        %swap3A_294 = tpu.memref_slice %arg8[%scan3A_236, %swap3A_292, %swap3A_293] : memref<4x128x64xf32, #tpu.memory_space<vmem>> -> memref<1x128x64xf32, #tpu.memory_space<vmem>>
        %swap3A_295 = tpu.memref_squeeze %swap3A_294 : memref<1x128x64xf32, #tpu.memory_space<vmem>> -> memref<128x64xf32, #tpu.memory_space<vmem>>
        %swap3A_296 = arith.index_cast %scan3A_272 : i32 to index
        %swap3A_297 = arith.constant 16 : index
        %swap3A_298 = tpu.vector_load %swap3A_295[%swap3A_296, %swap3A_297] {strides = array<i32>} : memref<128x64xf32, #tpu.memory_space<vmem>>, vector<1x16xf32>,
        %swap3A_299 = vector.shape_cast %swap3A_298 : vector<1x16xf32> to vector<16xf32>
        %swap3A_300 = vector.shape_cast %get3A_291 : vector<16xf32> to vector<1x16xf32>
        tpu.vector_store %swap3A_295[%swap3A_296, %swap3A_297], %swap3A_300 {add = true, strides = array<i32>} : memref<128x64xf32, #tpu.memory_space<vmem>>, vector<1x16xf32>,
        %get3A_301 = arith.index_cast %rem3A_276 : i32 to index
        %get3A_302 = arith.constant 32 : index
        %get3A_303 = tpu.vector_load %arg7[%get3A_301, %get3A_302] {strides = array<i32>} : memref<200x64xf32, #tpu.memory_space<vmem>>, vector<1x16xf32>,
        %get3A_304 = vector.shape_cast %get3A_303 : vector<1x16xf32> to vector<16xf32>
        %swap3A_305 = arith.constant 0 : i32
        %swap3A_306 = arith.constant 0 : i32
        %swap3A_307 = tpu.memref_slice %arg8[%scan3A_236, %swap3A_305, %swap3A_306] : memref<4x128x64xf32, #tpu.memory_space<vmem>> -> memref<1x128x64xf32, #tpu.memory_space<vmem>>
        %swap3A_308 = tpu.memref_squeeze %swap3A_307 : memref<1x128x64xf32, #tpu.memory_space<vmem>> -> memref<128x64xf32, #tpu.memory_space<vmem>>
        %swap3A_309 = arith.index_cast %scan3A_272 : i32 to index
        %swap3A_310 = arith.constant 32 : index
        %swap3A_311 = tpu.vector_load %swap3A_308[%swap3A_309, %swap3A_310] {strides = array<i32>} : memref<128x64xf32, #tpu.memory_space<vmem>>, vector<1x16xf32>,
        %swap3A_312 = vector.shape_cast %swap3A_311 : vector<1x16xf32> to vector<16xf32>
        %swap3A_313 = vector.shape_cast %get3A_304 : vector<16xf32> to vector<1x16xf32>
        tpu.vector_store %swap3A_308[%swap3A_309, %swap3A_310], %swap3A_313 {add = true, strides = array<i32>} : memref<128x64xf32, #tpu.memory_space<vmem>>, vector<1x16xf32>,
        %get3A_314 = arith.index_cast %rem3A_276 : i32 to index
        %get3A_315 = arith.constant 48 : index
        %get3A_316 = tpu.vector_load %arg7[%get3A_314, %get3A_315] {strides = array<i32>} : memref<200x64xf32, #tpu.memory_space<vmem>>, vector<1x16xf32>,
        %get3A_317 = vector.shape_cast %get3A_316 : vector<1x16xf32> to vector<16xf32>
        %swap3A_318 = arith.constant 0 : i32
        %swap3A_319 = arith.constant 0 : i32
        %swap3A_320 = tpu.memref_slice %arg8[%scan3A_236, %swap3A_318, %swap3A_319] : memref<4x128x64xf32, #tpu.memory_space<vmem>> -> memref<1x128x64xf32, #tpu.memory_space<vmem>>
        %swap3A_321 = tpu.memref_squeeze %swap3A_320 : memref<1x128x64xf32, #tpu.memory_space<vmem>> -> memref<128x64xf32, #tpu.memory_space<vmem>>
        %swap3A_322 = arith.index_cast %scan3A_272 : i32 to index
        %swap3A_323 = arith.constant 48 : index
        %swap3A_324 = tpu.vector_load %swap3A_321[%swap3A_322, %swap3A_323] {strides = array<i32>} : memref<128x64xf32, #tpu.memory_space<vmem>>, vector<1x16xf32>,
        %swap3A_325 = vector.shape_cast %swap3A_324 : vector<1x16xf32> to vector<16xf32>
        %swap3A_326 = vector.shape_cast %get3A_317 : vector<16xf32> to vector<1x16xf32>
        tpu.vector_store %swap3A_321[%swap3A_322, %swap3A_323], %swap3A_326 {add = true, strides = array<i32>} : memref<128x64xf32, #tpu.memory_space<vmem>>, vector<1x16xf32>,
        %scan3A_327 = arith.constant 0 : i32
        %scan3A_328 = arith.constant 1 : i32
        %scan3A_329 = arith.addi %scan3A_272, %scan3A_328 : i32
        %add3A_330 = arith.addi %rem3A_235, %scan3A_329 : i32
        %rem3A_331 = arith.constant 200 : i32
        %rem3A_332 = arith.remsi %add3A_330, %rem3A_331 : i32
        %get3A_333 = arith.index_cast %rem3A_332 : i32 to index
        %get3A_334 = arith.constant 0 : index
        %get3A_335 = tpu.vector_load %arg7[%get3A_333, %get3A_334] {strides = array<i32>} : memref<200x64xf32, #tpu.memory_space<vmem>>, vector<1x16xf32>,
        %get3A_336 = vector.shape_cast %get3A_335 : vector<1x16xf32> to vector<16xf32>
        %swap3A_337 = arith.constant 0 : i32
        %swap3A_338 = arith.constant 0 : i32
        %swap3A_339 = tpu.memref_slice %arg8[%scan3A_236, %swap3A_337, %swap3A_338] : memref<4x128x64xf32, #tpu.memory_space<vmem>> -> memref<1x128x64xf32, #tpu.memory_space<vmem>>
        %swap3A_340 = tpu.memref_squeeze %swap3A_339 : memref<1x128x64xf32, #tpu.memory_space<vmem>> -> memref<128x64xf32, #tpu.memory_space<vmem>>
        %swap3A_341 = arith.index_cast %scan3A_329 : i32 to index
        %swap3A_342 = arith.constant 0 : index
        %swap3A_343 = tpu.vector_load %swap3A_340[%swap3A_341, %swap3A_342] {strides = array<i32>} : memref<128x64xf32, #tpu.memory_space<vmem>>, vector<1x16xf32>,
        %swap3A_344 = vector.shape_cast %swap3A_343 : vector<1x16xf32> to vector<16xf32>
        %swap3A_345 = vector.shape_cast %get3A_336 : vector<16xf32> to vector<1x16xf32>
        tpu.vector_store %swap3A_340[%swap3A_341, %swap3A_342], %swap3A_345 {add = true, strides = array<i32>} : memref<128x64xf32, #tpu.memory_space<vmem>>, vector<1x16xf32>,
        %get3A_346 = arith.index_cast %rem3A_332 : i32 to index
        %get3A_347 = arith.constant 16 : index
        %get3A_348 = tpu.vector_load %arg7[%get3A_346, %get3A_347] {strides = array<i32>} : memref<200x64xf32, #tpu.memory_space<vmem>>, vector<1x16xf32>,
        %get3A_349 = vector.shape_cast %get3A_348 : vector<1x16xf32> to vector<16xf32>
        %swap3A_350 = arith.constant 0 : i32
        %swap3A_351 = arith.constant 0 : i32
        %swap3A_352 = tpu.memref_slice %arg8[%scan3A_236, %swap3A_350, %swap3A_351] : memref<4x128x64xf32, #tpu.memory_space<vmem>> -> memref<1x128x64xf32, #tpu.memory_space<vmem>>
        %swap3A_353 = tpu.memref_squeeze %swap3A_352 : memref<1x128x64xf32, #tpu.memory_space<vmem>> -> memref<128x64xf32, #tpu.memory_space<vmem>>
        %swap3A_354 = arith.index_cast %scan3A_329 : i32 to index
        %swap3A_355 = arith.constant 16 : index
        %swap3A_356 = tpu.vector_load %swap3A_353[%swap3A_354, %swap3A_355] {strides = array<i32>} : memref<128x64xf32, #tpu.memory_space<vmem>>, vector<1x16xf32>,
        %swap3A_357 = vector.shape_cast %swap3A_356 : vector<1x16xf32> to vector<16xf32>
        %swap3A_358 = vector.shape_cast %get3A_349 : vector<16xf32> to vector<1x16xf32>
        tpu.vector_store %swap3A_353[%swap3A_354, %swap3A_355], %swap3A_358 {add = true, strides = array<i32>} : memref<128x64xf32, #tpu.memory_space<vmem>>, vector<1x16xf32>,
        %get3A_359 = arith.index_cast %rem3A_332 : i32 to index
        %get3A_360 = arith.constant 32 : index
        %get3A_361 = tpu.vector_load %arg7[%get3A_359, %get3A_360] {strides = array<i32>} : memref<200x64xf32, #tpu.memory_space<vmem>>, vector<1x16xf32>,
        %get3A_362 = vector.shape_cast %get3A_361 : vector<1x16xf32> to vector<16xf32>
        %swap3A_363 = arith.constant 0 : i32
        %swap3A_364 = arith.constant 0 : i32
        %swap3A_365 = tpu.memref_slice %arg8[%scan3A_236, %swap3A_363, %swap3A_364] : memref<4x128x64xf32, #tpu.memory_space<vmem>> -> memref<1x128x64xf32, #tpu.memory_space<vmem>>
        %swap3A_366 = tpu.memref_squeeze %swap3A_365 : memref<1x128x64xf32, #tpu.memory_space<vmem>> -> memref<128x64xf32, #tpu.memory_space<vmem>>
        %swap3A_367 = arith.index_cast %scan3A_329 : i32 to index
        %swap3A_368 = arith.constant 32 : index
        %swap3A_369 = tpu.vector_load %swap3A_366[%swap3A_367, %swap3A_368] {strides = array<i32>} : memref<128x64xf32, #tpu.memory_space<vmem>>, vector<1x16xf32>,
        %swap3A_370 = vector.shape_cast %swap3A_369 : vector<1x16xf32> to vector<16xf32>
        %swap3A_371 = vector.shape_cast %get3A_362 : vector<16xf32> to vector<1x16xf32>
        tpu.vector_store %swap3A_366[%swap3A_367, %swap3A_368], %swap3A_371 {add = true, strides = array<i32>} : memref<128x64xf32, #tpu.memory_space<vmem>>, vector<1x16xf32>,
        %get3A_372 = arith.index_cast %rem3A_332 : i32 to index
        %get3A_373 = arith.constant 48 : index
        %get3A_374 = tpu.vector_load %arg7[%get3A_372, %get3A_373] {strides = array<i32>} : memref<200x64xf32, #tpu.memory_space<vmem>>, vector<1x16xf32>,
        %get3A_375 = vector.shape_cast %get3A_374 : vector<1x16xf32> to vector<16xf32>
        %swap3A_376 = arith.constant 0 : i32
        %swap3A_377 = arith.constant 0 : i32
        %swap3A_378 = tpu.memref_slice %arg8[%scan3A_236, %swap3A_376, %swap3A_377] : memref<4x128x64xf32, #tpu.memory_space<vmem>> -> memref<1x128x64xf32, #tpu.memory_space<vmem>>
        %swap3A_379 = tpu.memref_squeeze %swap3A_378 : memref<1x128x64xf32, #tpu.memory_space<vmem>> -> memref<128x64xf32, #tpu.memory_space<vmem>>
        %swap3A_380 = arith.index_cast %scan3A_329 : i32 to index
        %swap3A_381 = arith.constant 48 : index
        %swap3A_382 = tpu.vector_load %swap3A_379[%swap3A_380, %swap3A_381] {strides = array<i32>} : memref<128x64xf32, #tpu.memory_space<vmem>>, vector<1x16xf32>,
        %swap3A_383 = vector.shape_cast %swap3A_382 : vector<1x16xf32> to vector<16xf32>
        %swap3A_384 = vector.shape_cast %get3A_375 : vector<16xf32> to vector<1x16xf32>
        tpu.vector_store %swap3A_379[%swap3A_380, %swap3A_381], %swap3A_384 {add = true, strides = array<i32>} : memref<128x64xf32, #tpu.memory_space<vmem>>, vector<1x16xf32>,
        %scan3A_385 = arith.constant 0 : i32
        scf.yield %scan3A_385 : i32
      }
      %scan3A_243 = arith.constant 128 : i32
      %mul3A_244 = arith.constant 128 : i32
      %mul3A_245 = arith.muli %add3A_220, %mul3A_244 : i32
      %add3A_246 = arith.addi %mul3A_2, %mul3A_245 : i32
      %dma_start3A_247 = arith.constant 3 : i32
      %dma_start3A_248 = arith.constant 0 : i32
      %dma_start3A_249 = arith.constant 0 : i32
      %dma_start3A_250 = tpu.memref_slice %arg8[%dma_start3A_247, %dma_start3A_248, %dma_start3A_249] : memref<4x128x64xf32, #tpu.memory_space<vmem>> -> memref<1x128x64xf32, #tpu.memory_space<vmem>>
      %dma_start3A_251 = tpu.memref_squeeze %dma_start3A_250 : memref<1x128x64xf32, #tpu.memory_space<vmem>> -> memref<128x64xf32, #tpu.memory_space<vmem>>
      %dma_start3A_252 = arith.constant 0 : i32
      %dma_start3A_253 = tpu.memref_slice %arg5[%add3A_246, %dma_start3A_252] : memref<819200x64xf32, #tpu.memory_space<hbm>> -> memref<128x64xf32, #tpu.memory_space<hbm>>
      %dma_start3A_254 = arith.constant 0 : i32
      %dma_start3A_255 = tpu.memref_slice %arg5[%add3A_246, %dma_start3A_254] : memref<819200x64xf32, #tpu.memory_space<hbm>> -> memref<128x64xf32, #tpu.memory_space<hbm>>
      %dma_start3A_256 = arith.constant 0 : i32
      %dma_start3A_257 = arith.constant 0 : i32
      %dma_start3A_258 = tpu.memref_slice %arg8[%dma_start3A_247, %dma_start3A_256, %dma_start3A_257] : memref<4x128x64xf32, #tpu.memory_space<vmem>> -> memref<1x128x64xf32, #tpu.memory_space<vmem>>
      %dma_start3A_259 = tpu.memref_squeeze %dma_start3A_258 : memref<1x128x64xf32, #tpu.memory_space<vmem>> -> memref<128x64xf32, #tpu.memory_space<vmem>>
      tpu.enqueue_dma source(%dma_start3A_259 : memref<128x64xf32, #tpu.memory_space<vmem>>) target(%dma_start3A_255 : memref<128x64xf32, #tpu.memory_space<hbm>>) target_semaphore(%arg16 : memref<!tpu.dma_semaphore, #tpu.memory_space<semaphore_mem>>)
      %ge3A_260 = arith.constant 2 : i32
      %ge3A_261 = arith.cmpi sge, %add3A_220, %ge3A_260 : i32
      %convert_element_type3A_262 = arith.extui %ge3A_261 : i1 to i32
      %cond3A_263 = arith.constant 0 : i32
      %cond3A_264 = arith.cmpi ne, %convert_element_type3A_262, %cond3A_263 : i32
      scf.if %cond3A_264 {
        %sub3A = arith.constant 2 : i32
        %sub3A_272 = arith.subi %add3A_220, %sub3A : i32
        %mul3A_273 = arith.constant 128 : i32
        %mul3A_274 = arith.muli %sub3A_272, %mul3A_273 : i32
        %add3A_275 = arith.addi %mul3A_2, %mul3A_274 : i32
        %dma_wait3A_276 = arith.constant 1 : i32
        %dma_wait3A_277 = arith.constant 0 : i32
        %dma_wait3A_278 = arith.constant 0 : i32
        %dma_wait3A_279 = tpu.memref_slice %arg8[%dma_wait3A_276, %dma_wait3A_277, %dma_wait3A_278] : memref<4x128x64xf32, #tpu.memory_space<vmem>> -> memref<1x128x64xf32, #tpu.memory_space<vmem>>
        %dma_wait3A_280 = tpu.memref_squeeze %dma_wait3A_279 : memref<1x128x64xf32, #tpu.memory_space<vmem>> -> memref<128x64xf32, #tpu.memory_space<vmem>>
        %dma_wait3A_281 = arith.constant 0 : i32
        %dma_wait3A_282 = tpu.memref_slice %arg5[%add3A_275, %dma_wait3A_281] : memref<819200x64xf32, #tpu.memory_space<hbm>> -> memref<128x64xf32, #tpu.memory_space<hbm>>
        %dma_wait3A_283 = arith.constant 0 : i32
        %dma_wait3A_284 = tpu.memref_slice %arg5[%add3A_275, %dma_wait3A_283] : memref<819200x64xf32, #tpu.memory_space<hbm>> -> memref<128x64xf32, #tpu.memory_space<hbm>>
        %dma_wait3A_285 = arith.constant 0 : i32
        %dma_wait3A_286 = arith.constant 0 : i32
        %dma_wait3A_287 = tpu.memref_slice %arg8[%dma_wait3A_276, %dma_wait3A_285, %dma_wait3A_286] : memref<4x128x64xf32, #tpu.memory_space<vmem>> -> memref<1x128x64xf32, #tpu.memory_space<vmem>>
        %dma_wait3A_288 = tpu.memref_squeeze %dma_wait3A_287 : memref<1x128x64xf32, #tpu.memory_space<vmem>> -> memref<128x64xf32, #tpu.memory_space<vmem>>
        tpu.wait_dma2 semaphore(%arg14 : memref<!tpu.dma_semaphore, #tpu.memory_space<semaphore_mem>>) src(%dma_wait3A_288 : memref<128x64xf32, #tpu.memory_space<vmem>>) dst(%dma_wait3A_284 : memref<128x64xf32, #tpu.memory_space<hbm>>)
      } else {
      }
      %add3A_265 = arith.constant 2 : i32
      %add3A_266 = arith.addi %add3A_220, %add3A_265 : i32
      %lt3A_267 = arith.constant 200 : i32
      %lt3A_268 = arith.cmpi slt, %add3A_266, %lt3A_267 : i32
      %convert_element_type3A_269 = arith.extui %lt3A_268 : i1 to i32
      %cond3A_270 = arith.constant 0 : i32
      %cond3A_271 = arith.cmpi ne, %convert_element_type3A_269, %cond3A_270 : i32
      scf.if %cond3A_271 {
        %add3A_272 = arith.constant 2 : i32
        %add3A_273 = arith.addi %add3A_220, %add3A_272 : i32
        %mul3A_274 = arith.constant 128 : i32
        %mul3A_275 = arith.muli %add3A_273, %mul3A_274 : i32
        %dma_start3A_276 = arith.constant 1 : i32
        %dma_start3A_277 = arith.constant 0 : i32
        %dma_start3A_278 = arith.constant 0 : i32
        %dma_start3A_279 = tpu.memref_slice %arg8[%dma_start3A_276, %dma_start3A_277, %dma_start3A_278] : memref<4x128x64xf32, #tpu.memory_space<vmem>> -> memref<1x128x64xf32, #tpu.memory_space<vmem>>
        %dma_start3A_280 = tpu.memref_squeeze %dma_start3A_279 : memref<1x128x64xf32, #tpu.memory_space<vmem>> -> memref<128x64xf32, #tpu.memory_space<vmem>>
        %dma_start3A_281 = tpu.memref_slice %arg6[%mul3A_275] : memref<25600xi32, #tpu.memory_space<vmem>> -> memref<128xi32, #tpu.memory_space<vmem>>
        %dma_start3A_282 = arith.constant 0 : i32
        %dma_start3A_283 = arith.constant 0 : i32
        %dma_start3A_284 = tpu.memref_slice %arg3[%dma_start3A_282, %dma_start3A_283] : memref<1000000x64xf32, #tpu.memory_space<hbm>> -> memref<1000000x64xf32, #tpu.memory_space<hbm>>
        tpu.enqueue_indirect_dma source(%dma_start3A_284 : memref<1000000x64xf32, #tpu.memory_space<hbm>>) target(%dma_start3A_280 : memref<128x64xf32, #tpu.memory_space<vmem>>) offsets(%dma_start3A_281 : memref<128xi32, #tpu.memory_space<vmem>>) semaphore(%arg10 : memref<!tpu.dma_semaphore, #tpu.memory_space<semaphore_mem>>)
      } else {
      }
    }
    %scan3A_26 = arith.constant 50 : i32
    %add3A_27 = arith.constant 25344 : i32
    %add3A_28 = arith.addi %mul3A_2, %add3A_27 : i32
    %dma_wait3A = arith.constant 2 : i32
    %dma_wait3A_29 = arith.constant 0 : i32
    %dma_wait3A_30 = arith.constant 0 : i32
    %dma_wait3A_31 = tpu.memref_slice %arg8[%dma_wait3A, %dma_wait3A_29, %dma_wait3A_30] : memref<4x128x64xf32, #tpu.memory_space<vmem>> -> memref<1x128x64xf32, #tpu.memory_space<vmem>>
    %dma_wait3A_32 = tpu.memref_squeeze %dma_wait3A_31 : memref<1x128x64xf32, #tpu.memory_space<vmem>> -> memref<128x64xf32, #tpu.memory_space<vmem>>
    %dma_wait3A_33 = arith.constant 0 : i32
    %dma_wait3A_34 = tpu.memref_slice %arg5[%add3A_28, %dma_wait3A_33] : memref<819200x64xf32, #tpu.memory_space<hbm>> -> memref<128x64xf32, #tpu.memory_space<hbm>>
    %dma_wait3A_35 = arith.constant 0 : i32
    %dma_wait3A_36 = tpu.memref_slice %arg5[%add3A_28, %dma_wait3A_35] : memref<819200x64xf32, #tpu.memory_space<hbm>> -> memref<128x64xf32, #tpu.memory_space<hbm>>
    %dma_wait3A_37 = arith.constant 0 : i32
    %dma_wait3A_38 = arith.constant 0 : i32
    %dma_wait3A_39 = tpu.memref_slice %arg8[%dma_wait3A, %dma_wait3A_37, %dma_wait3A_38] : memref<4x128x64xf32, #tpu.memory_space<vmem>> -> memref<1x128x64xf32, #tpu.memory_space<vmem>>
    %dma_wait3A_40 = tpu.memref_squeeze %dma_wait3A_39 : memref<1x128x64xf32, #tpu.memory_space<vmem>> -> memref<128x64xf32, #tpu.memory_space<vmem>>
    tpu.wait_dma2 semaphore(%arg15 : memref<!tpu.dma_semaphore, #tpu.memory_space<semaphore_mem>>) src(%dma_wait3A_40 : memref<128x64xf32, #tpu.memory_space<vmem>>) dst(%dma_wait3A_36 : memref<128x64xf32, #tpu.memory_space<hbm>>)
    %add3A_41 = arith.constant 25472 : i32
    %add3A_42 = arith.addi %mul3A_2, %add3A_41 : i32
    %dma_wait3A_43 = arith.constant 3 : i32
    %dma_wait3A_44 = arith.constant 0 : i32
    %dma_wait3A_45 = arith.constant 0 : i32
    %dma_wait3A_46 = tpu.memref_slice %arg8[%dma_wait3A_43, %dma_wait3A_44, %dma_wait3A_45] : memref<4x128x64xf32, #tpu.memory_space<vmem>> -> memref<1x128x64xf32, #tpu.memory_space<vmem>>
    %dma_wait3A_47 = tpu.memref_squeeze %dma_wait3A_46 : memref<1x128x64xf32, #tpu.memory_space<vmem>> -> memref<128x64xf32, #tpu.memory_space<vmem>>
    %dma_wait3A_48 = arith.constant 0 : i32
    %dma_wait3A_49 = tpu.memref_slice %arg5[%add3A_42, %dma_wait3A_48] : memref<819200x64xf32, #tpu.memory_space<hbm>> -> memref<128x64xf32, #tpu.memory_space<hbm>>
    %dma_wait3A_50 = arith.constant 0 : i32
    %dma_wait3A_51 = tpu.memref_slice %arg5[%add3A_42, %dma_wait3A_50] : memref<819200x64xf32, #tpu.memory_space<hbm>> -> memref<128x64xf32, #tpu.memory_space<hbm>>
    %dma_wait3A_52 = arith.constant 0 : i32
    %dma_wait3A_53 = arith.constant 0 : i32
    %dma_wait3A_54 = tpu.memref_slice %arg8[%dma_wait3A_43, %dma_wait3A_52, %dma_wait3A_53] : memref<4x128x64xf32, #tpu.memory_space<vmem>> -> memref<1x128x64xf32, #tpu.memory_space<vmem>>
    %dma_wait3A_55 = tpu.memref_squeeze %dma_wait3A_54 : memref<1x128x64xf32, #tpu.memory_space<vmem>> -> memref<128x64xf32, #tpu.memory_space<vmem>>
    tpu.wait_dma2 semaphore(%arg16 : memref<!tpu.dma_semaphore, #tpu.memory_space<semaphore_mem>>) src(%dma_wait3A_55 : memref<128x64xf32, #tpu.memory_space<vmem>>) dst(%dma_wait3A_51 : memref<128x64xf32, #tpu.memory_space<hbm>>)
    return
  }
}

</mosaic_0001>

<sc_bundles>
// kernel: kernel.3.cloned.1.call-start
scs
__scs_entry_jumppad:
0x0: {  	(pc) =	sbr.rel $0x88, $3  }
0x1: {  	(tag) =	ssettag $0x0;
	lr =	simm.s32 $0x1  }
0x2: {  	[smem:$0x3F9E] =	sst lr;
	_ =	strace $0xD0000000  }
0x3: {  	_ = 	snop  }
0x4: {  	_ = 	snop  }
0x5: {  	_ = 	snop  }
0x6: {  	_ = 	snop  }
0x7: {  	_ = 	snop  }
__scs_overlays_trampoline_lowered:
0x8: {  	[smem:$0x3FAD] =	sst s0  }
0x9: {  	[smem:$0x3FAE] =	sst s1  }
0xa: {  	[smem:$0x3FAF] =	sst s2  }
0xb: {  	[smem:$0x3FB0] =	sst s3  }
0xc: {  	[smem:$0x3FB1] =	sst s4  }
0xd: {  	[smem:$0x3FB2] =	sst s5  }
0xe: {  	[smem:$0x3FB3] =	sst s6  }
0xf: {  	[smem:$0x3FB4] =	sst s7  }
0x10: {  	[smem:$0x3FB5] =	sst s8  }
0x11: {  	[smem:$0x3FB6] =	sst s9;
	s0 =	simm.s32 @!p0 $0x0  }
0x12: {  	s1 =	sld [smem:$0x3F9C];
	s0 =	simm.s32 @p0 $0x1  }
0x13: {  	[smem:$0x3FB7] =	sst s0;
	s0 =	simm.s32 @!p1 $0x0  }
0x14: {  	s2 =	sld [smem:$0x3F9B];
	s0 =	simm.s32 @p1 $0x1  }
0x15: {  	[smem:$0x3FB8] =	sst s0;
	s0 =	simm.s32 @!p2 $0x0  }
0x16: {  	s3 =	sld [smem:$0x3FDB];
	s0 =	simm.s32 @p2 $0x1  }
0x17: {  	s4 =	simm.s32 $0x1BF5;
	[smem:$0x3FBA] =	sst s0  }
0x18: {  	s0 =	sld [smem:$0x3F9D];
	_ =	swait.ge [sflag:s4], $0x0  }
0x19: {  	s7 =	sld [smem:$0x3F9E]  }
0x1a: {  	s8 =	sadd.s32 $0xFFFFE003, lr  }
0x1b: {  	s9 =	sadd.s32 $0xFFFFFEF7, lr;
	s5 =	simm.s32 $0xFFFFFFFF;
	p2 =	slt.u32 s8, $0xFFFFF086  }
0x1c: {  	p1 =	slt.u32 s9, $0xF7A;
	s5 =	simm.s32 @!p2 $0x0  }
0x1d: {  	s5 =	simm.s32 @p1 $0x1;
	p0 =	seq.s32 s7, s2  }
0x1e: {  	s7 =	smul.u32 @!p0 $0xF7A, s2;
	p2 =	seq.s32 @!p0 s5, $0x0  }
0x1f: {  	s9 =	smul.u32 $0xF7A, s1;
	s8 =	simm.s32 @!p0 $0x1BF5;
	p2 =	por !p2, p0  }
0x20: {  	[sflag:s8] =	ssyncset.s32 @!p0 $0xFFFFF086;
	s6 =	sadd.s32 @!p0 s3, s7;
	s7 =	simm.s32 @!p0 $0x108  }
0x21: {  	s3 =	sadd.s32 s3, s9;
	s6 =	sadd.s32 @!p0 $0x88, s6;
	s7 =	simm.s32 @p2 $0x1082  }
0x22: {  	[simem:s7], [sflag:s8] =	dma.local @!p0 [hbm:s6], $0xF7A  }
0x23: {  	s9 =	sor.u32 $0xD0000000, s2;
	s6 =	simm.s32 $0x108;
	_ =	swait.ge @!p0 [sflag:s8], $0x0  }
0x24: {  	s3 =	sadd.s32 $0x88, s3;
	s6 =	simm.s32 @!p1 $0x1082;
	[sflag:s4] =	ssyncset.s32 $0xFFFFF086  }
0x25: {  	[simem:s6], [sflag:s4] =	dma.local [hbm:s3], $0xF7A  }
0x26: {  	[smem:$0x3F9E] =	sst s1;
	(tag) =	ssettag s2;
	_ =	strace s9  }
0x27: {  	s1 =	sld [smem:$0x3FAE]  }
0x28: {  	s2 =	sld [smem:$0x3FAF]  }
0x29: {  	s4 =	sld [smem:$0x3FB1]  }
0x2a: {  	p0 =	seq.s32 s5, $0x0;
	s5 =	sld [smem:$0x3FB2]  }
0x2b: {  	s6 =	sld [smem:$0x3FB3]  }
0x2c: {  	s7 =	sld [smem:$0x3FB4]  }
0x2d: {  	s3 =	simm.s32 $0x108;
	s8 =	sld [smem:$0x3FB5]  }
0x2e: {  	s3 =	simm.s32 @!p0 $0x1082;
	s9 =	sld [smem:$0x3FB6]  }
0x2f: {  	lr =	sadd.s32 s0, s3;
	s0 =	sld [smem:$0x3FAD]  }
0x30: {  	s3 =	sld [smem:$0x3FB0]  }
0x31: {  	[smem:$0x3FB9] =	sst s10  }
0x32: {  	s10 =	sld [smem:$0x3FB7];
	_ =	sdelay $0x3  }
0x33: {  	p0 =	seq.s32 s10, $0x1;
	s10 =	sld [smem:$0x3FB9];
	_ =	sdelay $0x3  }
0x34: {  	[smem:$0x3FB9] =	sst s10  }
0x35: {  	s10 =	sld [smem:$0x3FB8];
	_ =	sdelay $0x3  }
0x36: {  	p1 =	seq.s32 s10, $0x1;
	s10 =	sld [smem:$0x3FB9];
	_ =	sdelay $0x3  }
0x37: {  	[smem:$0x3FB9] =	sst s10  }
0x38: {  	s10 =	sld [smem:$0x3FBA]  }
0x39: {  	_ = 	snop;
	(pc) =	sbr.ind lr, $3  }
0x3a: {  	_ = 	snop  }
0x3b: {  	_ = 	snop  }
0x3c: {  	p2 =	seq.s32 s10, $0x1;
	s10 =	sld [smem:$0x3FB9]  }
0x3d: {  	_ =	shalt  }
0x3e: {  	_ =	shalt  }
0x3f: {  	_ =	shalt  }
0x40: {  	_ =	shalt  }
0x41: {  	_ =	shalt  }
0x42: {  	_ =	shalt  }
0x43: {  	_ =	shalt  }
0x44: {  	_ =	shalt  }
0x45: {  	_ =	shalt  }
0x46: {  	_ =	shalt  }
0x47: {  	_ =	shalt  }
0x48: {  	_ =	shalt  }
0x49: {  	_ =	shalt  }
0x4a: {  	_ =	shalt  }
0x4b: {  	_ =	shalt  }
0x4c: {  	_ =	shalt  }
0x4d: {  	_ =	shalt  }
0x4e: {  	_ =	shalt  }
0x4f: {  	_ =	shalt  }
0x50: {  	_ =	shalt  }
0x51: {  	_ =	shalt  }
0x52: {  	_ =	shalt  }
0x53: {  	_ =	shalt  }
0x54: {  	_ =	shalt  }
0x55: {  	_ =	shalt  }
0x56: {  	_ =	shalt  }
0x57: {  	_ =	shalt  }
0x58: {  	_ =	shalt  }
0x59: {  	_ =	shalt  }
0x5a: {  	_ =	shalt  }
0x5b: {  	_ =	shalt  }
0x5c: {  	_ =	shalt  }
0x5d: {  	_ =	shalt  }
0x5e: {  	_ =	shalt  }
0x5f: {  	_ =	shalt  }
0x60: {  	_ =	shalt  }
0x61: {  	_ =	shalt  }
0x62: {  	_ =	shalt  }
0x63: {  	_ =	shalt  }
0x64: {  	_ =	shalt  }
0x65: {  	_ =	shalt  }
0x66: {  	_ =	shalt  }
0x67: {  	_ =	shalt  }
0x68: {  	_ =	shalt  }
0x69: {  	_ =	shalt  }
0x6a: {  	_ =	shalt  }
0x6b: {  	_ =	shalt  }
0x6c: {  	_ =	shalt  }
0x6d: {  	_ =	shalt  }
0x6e: {  	_ =	shalt  }
0x6f: {  	_ =	shalt  }
0x70: {  	_ =	shalt  }
0x71: {  	_ =	shalt  }
0x72: {  	_ =	shalt  }
0x73: {  	_ =	shalt  }
0x74: {  	_ =	shalt  }
0x75: {  	_ =	shalt  }
0x76: {  	_ =	shalt  }
0x77: {  	_ =	shalt  }
0x78: {  	_ =	shalt  }
0x79: {  	_ =	shalt  }
0x7a: {  	_ =	shalt  }
0x7b: {  	_ =	shalt  }
0x7c: {  	_ =	shalt  }
0x7d: {  	_ =	shalt  }
0x7e: {  	_ =	shalt  }
0x7f: {  	_ =	shalt  }
0x80: {  	_ =	shalt  }
0x81: {  	_ =	shalt  }
0x82: {  	_ =	shalt  }
0x83: {  	_ =	shalt  }
0x84: {  	_ =	shalt  }
0x85: {  	_ =	shalt  }
0x86: {  	_ =	shalt  }
0x87: {  	_ =	shalt  }
.Lfunc_end0:
.L_simem_size_0:
called_computation.1_lowered:
.L_overlay_start_0:
0x88: {  	s2 =	sld [smem:$0x3FD9]  }
0x89: {  	s3 =	sld [smem:$0x3FFE];
	_ =	sdelay $0x1  }
0x8a: {  	s1 =	srdreg.scid  }
0x8b: {  	s0 =	sand.u32 $0x1, s1  }
0x8c: {  	s17 =	sshll.u32 s0, $0xA;
	s2 =	sadd.s32 s3, s2  }
0x8d: {  	s2 =	sadd.s32 s2, s17  }
0x8e: {  	[smem:$0x3FC5] =	sst s2  }
0x8f: {  	_ = 	snop  }
0x90: {  	s2 =	sld [smem:$0x3FD0];
	(tm) =	ssettm $0x1  }
0x91: {  	s18 =	sld [smem:$0x3FFB];
	_ =	sdelay $0x3  }
0x92: {  	_ =	strace s18  }
0x93: {  	s3 =	sld [smem:$0x3FFC];
	_ =	sdelay $0x3  }
0x94: {  	_ =	strace s3  }
0x95: {  	s3 =	sld [smem:$0x3FFD];
	_ =	sdelay $0x3  }
0x96: {  	_ =	strace s3  }
0x97: {  	_ =	strace $0x8FFFFFFF  }
0x98: {  	s19 =	sld [smem:$0x3FDB];
	_ =	sdelay $0x1  }
0x99: {  	s4 =	simm.s32 $_scs_section_size  }
0x9a: {  	s5 =	simm.s32 $_size__tile_overlayer_lowered;
	s6 =	simm.s32 $_tile_overlayer_lowered  }
0x9b: {  	s22 =	simm.s32 $0x1BFF;
	s21 =	sshll.u32 s6, $0x1;
	s3 =	sadd.s32 s4, s19  }
0x9c: {  	s7 =	simm.s32 $0x0;
	s20 =	sshll.u32 s5, $0x1;
	s5 =	sadd.s32 s21, s3  }
0x9d: {  	[timem:s7], [sflag:s22] =	dma.local [hbm:s5], s20  }
0x9e: {  	_ =	swait.ge [sflag:s22], s20  }
0x9f: {  	s4 =	ssub.s32 $0x0, s20;
	[sflag:s22] =	ssyncset.done $0x0  }
0xa0: {  	[sflag:s22] =	ssyncadd.s32 s4;
	_ =	sdelay $0x1  }
0xa1: {  	s23 =	simm.s32 $0x1B8B  }
0xa2: {  	_ =	swait.ge [sflag:s23], $0x1  }
0xa3: {  	[sflag:s23] =	ssyncset.done $0x0  }
0xa4: {  	s25 =	simm.s32 $0x1B8E;
	s24 =	sld [smem:$0x3FFE];
	[sflag:s23] =	ssyncadd.s32 $0xFFFFFFFF  }
0xa5: {  	s26 =	simm.s32 $execute0_lowered;
	[smem:$0x3FD2] =	sst s25  }
0xa6: {  	s5 =	sshll.u32 s26, $0x1;
	_ =	strace $0x80000046;
	[dreg:$0x1] =	wrdreg $0xFFFFFFFF  }
0xa7: {  	s28 =	simm.s32 $_size_execute0_lowered;
	s3 =	sadd.s32 s3, s5;
	[dreg:$0x0] =	wrdreg $0x0  }
0xa8: {  	s5 =	sshll.u32 s28, $0x1;
	[dreg:$0x2] =	wrdreg s3  }
0xa9: {  	[dreg:$0x3] =	wrdreg s5  }
0xaa: {  	[dreg:$0x4] =	wrdreg $0xC0  }
0xab: {  	_ =	task [dreg:s7], $0x5FFFF  }
0xac: {  	[dreg:$0x1] =	wrdreg $0xFFFFFFFF  }
0xad: {  	[dreg:$0x0] =	wrdreg $0x60  }
0xae: {  	[dreg:$0x2] =	wrdreg s24  }
0xaf: {  	[dreg:$0x3] =	wrdreg s2  }
0xb0: {  	[dreg:$0x4] =	wrdreg $0x9  }
0xb1: {  	_ =	task.clear_ibuf [dreg:s7], $0x5FFFF;
	_ =	strace $0x90000046  }
0xb2: {  	s29 =	simm.s32 $0x9;
	_ =	strace $0x80000048  }
0xb3: {  	_ =	swait.ge [sflag:s29], $0x1  }
0xb4: {  	[sflag:s29] =	ssyncadd.s32 $0xFFFFFFFF  }
0xb5: {  	_ =	strace $0x90000048  }
0xb6: {  	_ =	sfence  }
0xb7: {  	s30 =	sld [smem:$0x0];
	_ =	sdelay $0x2  }
0xb8: {  	s31 =	sshll.u32 s1, $0xD;
	s1 =	sshrl.u32 s1, $0x2  }
0xb9: {  	s3 =	sand.u32 $0x4000, s31;
	s1 =	sadd.s32 s1, s30  }
0xba: {  	s0 =	sor.u32 s3, s0;
	s1 =	sshll.u32 s1, $0x11  }
0xbb: {  	s0 =	sor.u32 s1, s0  }
0xbc: {  	s0 =	sadd.s32 $0x8F2B, s0  }
0xbd: {  	[sflag:s0] =	ssyncadd.remote.s32 $0x1  }
0xbe: {  	_ =	sfence.sel $0xFFFF  }
0xbf: {  	[dreg:$0x0] =	wrdreg $0xFFFFFFFF;
	(pc) =	sbr.abs _section_cstart, $3  }
0xc0: {  	[dreg:$0x1] =	wrdreg $0xFFFFFFFF  }
0xc1: {  	_ =	task.clear_ibuf [dreg:s7], $0x2FFFF;
	_ =	strace $0x9FFFFFFF  }
0xc2: {  	(tm) =	ssettm $0x7FFFFFFF  }
0xc3: {  	_ =	shalt  }
tec
execute0_lowered:
.L_overlay_start_1:
0x0: {  	(tag) =	ssettag $0x1  }
0x1: {  	s0 =	srdreg.scid;
	s6 =	rddreg [dreg:$0x0]  }
0x2: {  	s1 =	stileid.u32;
	s2 =	rddreg [dreg:$0x1];
	s4 =	simm.s32 $0x0  }
0x3: {  	s12 =	simm.s32 $0xB600;
	s13 =	simm.s32 $0x1;
	s14 =	simm.s32 $0x80  }
0x4: {  	s15 =	simm.s32 $0xD600;
	s16 =	simm.s32 $0x2;
	s17 =	simm.s32 $0xF600  }
0x5: {  	s18 =	simm.s32 $0x3;
	s0 =	sand.u32 $0x1, s0;
	s1 =	sshll.u32 s1, $0x1  }
0x6: {  	s19 =	simm.s32 $0x5;
	s1 =	sor.u32 s0, s1;
	s0 =	ssub.s32 $0x2, s0  }
0x7: {  	[smem:$0x7FF] =	sst s4;
	s3 =	smul.u32 $0x6400, s1;
	s7 =	sshrl.u32 s0, $0x1  }
.Ltmp0:
0x8: {  	s5 =	sadd.s32 $0xF43000, s6;
	s0 =	ssub.s32 s0, s7;
	(pc) =	sbr.rel .LBB2_1-.Ltmp0, $4  }
0x9: {  	_ =	strace $0x80000047;
	s1 =	sshrl.u32 s3, $0x3;
	s0 =	smax.u32 s0, $0x1  }
0xa: {  	s1 =	sadd.s32 s1, s6;
	s6 =	sadd.s32 $0x19C00, s6;
	[dreg:$0x5] =	wrdreg s0  }
0xb: {  	s20 =	simm.s32 $0x4;
	[dreg:$0x3] =	wrdreg s6;
	s1 =	sadd.s32 $0xC00, s1  }
0xc: {  	s21 =	simm.s32 $0x6;
	s6 =	simm.s32 $0x0;
	[dreg:$0x4] =	wrdreg s1  }
.LBB2_12:
0xd: {  	s0 =	simm.s32 $0x7  }
0xe: {  	_ =	swait.ge [sflag:s0], $0x2000  }
0xf: {  	[sflag:s0] =	ssyncset.done $0x0  }
0x10: {  	s1 =	simm.s32 $0x8;
	[sflag:s0] =	ssyncadd.s32 $0xFFFFE000  }
0x11: {  	_ =	swait.ge [sflag:s1], $0x2000  }
0x12: {  	s6 =	rddreg [dreg:$0x6]  }
0x13: {  	s31 =	rddreg [dreg:$0x5];
	s6 =	sadd.s32 $0x1, s6  }
0x14: {  	p0 =	sne.s32 s6, s31  }
.Ltmp1:
0x15: {  	_ = 	snop;
	(pc) =	sbr.rel @!p0 .LBB2_13-.Ltmp1, $3  }
0x16: {  	_ =	sdelay $0x1  }
0x17: {  	[sflag:s1] =	ssyncset.done $0x0  }
0x18: {  	[sflag:s1] =	ssyncadd.s32 $0xFFFFE000  }
.LBB2_1:
0x19: {  	[dreg:$0x6] =	wrdreg s6  }
0x1a: {  	s0 =	rddreg [dreg:$0x3];
	s1 =	simm.s32 $0x6400;
	s25 =	simm.s32 $0x9  }
0x1b: {  	[tilespmem:s1], [sflag:$0x9] =	stream.linear.gather [hbm4b:s0+s4], $0x3200, $0x38;
	[tilespmem:$0x11600] =	vst v63  }
0x1c: {  	_ =	swait.ge [sflag:s25], $0x3200  }
0x1d: {  	[sflag:s25] =	ssyncset.done $0x0  }
0x1e: {  	s26 =	rddreg [dreg:$0x4];
	[sflag:s25] =	ssyncadd.s32 $0xFFFFCE00  }
0x1f: {  	[tilespmem:s4], [sflag:$0x9] =	stream.linear.gather [hbm4b:s26+s4], $0x6400, $0x38;
	[tilespmem:$0x11600] =	vst v63  }
0x20: {  	_ =	swait.ge [sflag:s25], $0x6400  }
0x21: {  	s31 =	simm.s32 $0x9600;
	[sflag:s25] =	ssyncset.done $0x0  }
0x22: {  	s28 =	simm.s32 $0x80;
	s29 =	simm.s32 $0x0;
	[sflag:s25] =	ssyncadd.s32 $0xFFFF9C00  }
0x23: {  	[tilespmem:s31], [sflag:$0x1] =	stream.indirect.gather [hbm4b:s5+s14], $0x40, s4, s14, $0xb8;
	[tilespmem:$0x11600] =	vst v63  }
0x24: {  	s30 =	simm.s32 $0x0;
	s26 =	simm.s32 $0x180;
	s25 =	simm.s32 $0x100  }
0x25: {  	[tilespmem:s12], [sflag:$0x2] =	stream.indirect.gather [hbm4b:s5+s14], $0x40, s14, s14, $0xb8;
	[tilespmem:$0x11600] =	vst v63  }
.LBB2_2:
0x26: {  	s0 =	smulhi.u32 $0x51EB851F, s29;
	_ =	sdelay $0x1  }
0x27: {  	s0 =	sshrl.u32 s0, $0x6  }
0x28: {  	s0 =	smul.u32 $0xC8, s0;
	_ =	sdelay $0x1  }
0x29: {  	s6 =	ssub.s32 s29, s0  }
0x2a: {  	s0 =	sadd.s32 $0xFFFFFFFE, s6  }
0x2b: {  	s1 =	sadd.s32 $0x2, s0  }
0x2c: {  	s7 =	sshll.u32 s1, $0x8  }
0x2d: {  	_ =	swait.ge [sflag:s13], $0x2000;
	p0 =	slt.u32 s1, $0xC8;
	s1 =	sadd.s32 $0xFFFF3800, s7  }
0x2e: {  	[sflag:s13] =	ssyncset.done $0x0;
	s1 =	smov.u32 @p0 s7  }
0x2f: {  	[sflag:s13] =	ssyncadd.s32 $0xFFFFE000;
	s1 =	sshra.s32 s1, $0x2  }
0x30: {  	v0 =	vld [tilespmem:s1+$0x6400];
	_ =	sdelay $0x3  }
0x31: {  	s7 =	simm.s32 $0x9640  }
0x32: {  	[tilespmem:s7+$0xFFFFFFC0] =	vst.add.f32.msk $0xffff, v0  }
0x33: {  	v0 =	vld [tilespmem:s1+$0x6410];
	_ =	sdelay $0x4  }
0x34: {  	[tilespmem:s7+$0xFFFFFFD0] =	vst.add.f32.msk $0xffff, v0  }
0x35: {  	v0 =	vld [tilespmem:s1+$0x6420];
	_ =	sdelay $0x4  }
0x36: {  	[tilespmem:s7+$0xFFFFFFE0] =	vst.add.f32.msk $0xffff, v0  }
0x37: {  	v0 =	vld [tilespmem:s1+$0x6430]  }
0x38: {  	s0 =	sadd.s32 $0x3, s0  }
0x39: {  	s1 =	sshll.u32 s0, $0x8  }
0x3a: {  	p0 =	slt.u32 s0, $0xC8;
	s0 =	sadd.s32 $0xFFFF3800, s1  }
0x3b: {  	s0 =	smov.u32 @p0 s1  }
0x3c: {  	s22 =	sshra.s32 s0, $0x2;
	[tilespmem:s7+$0xFFFFFFF0] =	vst.add.f32.msk $0xffff, v0  }
0x3d: {  	v0 =	vld [tilespmem:s22+$0x6400];
	_ =	sdelay $0x4  }
0x3e: {  	[tilespmem:s7+$0x0] =	vst.add.f32.msk $0xffff, v0  }
0x3f: {  	v0 =	vld [tilespmem:s22+$0x6410];
	_ =	sdelay $0x3  }
0x40: {  	s8 =	smulhi.u32 $0x51EB851F, s28  }
0x41: {  	s11 =	smulhi.u32 $0x51EB851F, s26;
	[tilespmem:s7+$0x10] =	vst.add.f32.msk $0xffff, v0  }
0x42: {  	s23 =	smulhi.u32 $0x51EB851F, s25;
	s24 =	sshrl.u32 s8, $0x6;
	v0 =	vld [tilespmem:s22+$0x6420]  }
0x43: {  	s8 =	smul.u32 $0xC8, s24;
	s0 =	sshrl.u32 s11, $0x6  }
0x44: {  	s1 =	sshrl.u32 s23, $0x6;
	s0 =	smul.u32 $0xC8, s0  }
0x45: {  	s9 =	smul.u32 $0xC8, s1  }
0x46: {  	s31 =	sshll.u32 s30, $0x9;
	s1 =	ssub.s32 s29, s0  }
0x47: {  	s0 =	ssub.s32 s29, s9;
	s9 =	ssub.s32 s29, s8;
	s8 =	simm.s32 $0x0;
	[tilespmem:s7+$0x20] =	vst.add.f32.msk $0xffff, v0  }
.LBB2_3:
0x48: {  	s10 =	sadd.s32 s8, s6;
	s8 =	sadd.s32 $0x2, s8;
	v0 =	vld [tilespmem:s22+$0x6430]  }
0x49: {  	s22 =	sadd.s32 $0x2, s10;
	p0 =	slt.u32 s8, $0x7E  }
0x4a: {  	s23 =	sshll.u32 s22, $0x8  }
0x4b: {  	p1 =	slt.u32 s22, $0xC8;
	s22 =	sadd.s32 $0xFFFF3800, s23  }
0x4c: {  	s22 =	smov.u32 @p1 s23  }
0x4d: {  	s22 =	sshra.s32 s22, $0x2;
	[tilespmem:s7+$0x30] =	vst.add.f32.msk $0xffff, v0  }
0x4e: {  	v0 =	vld [tilespmem:s22+$0x6400];
	_ =	sdelay $0x3  }
0x4f: {  	s7 =	sadd.s32 $0x80, s7  }
0x50: {  	[tilespmem:s7+$0xFFFFFFC0] =	vst.add.f32.msk $0xffff, v0  }
0x51: {  	v0 =	vld [tilespmem:s22+$0x6410];
	_ =	sdelay $0x4  }
0x52: {  	[tilespmem:s7+$0xFFFFFFD0] =	vst.add.f32.msk $0xffff, v0  }
0x53: {  	v0 =	vld [tilespmem:s22+$0x6420];
	_ =	sdelay $0x4  }
0x54: {  	[tilespmem:s7+$0xFFFFFFE0] =	vst.add.f32.msk $0xffff, v0  }
0x55: {  	v0 =	vld [tilespmem:s22+$0x6430]  }
0x56: {  	s10 =	sadd.s32 $0x3, s10  }
0x57: {  	s22 =	sshll.u32 s10, $0x8  }
0x58: {  	p1 =	slt.u32 s10, $0xC8;
	s10 =	sadd.s32 $0xFFFF3800, s22  }
0x59: {  	s10 =	smov.u32 @p1 s22  }
0x5a: {  	s22 =	sshra.s32 s10, $0x2;
	[tilespmem:s7+$0xFFFFFFF0] =	vst.add.f32.msk $0xffff, v0  }
0x5b: {  	v0 =	vld [tilespmem:s22+$0x6400];
	_ =	sdelay $0x4  }
0x5c: {  	[tilespmem:s7+$0x0] =	vst.add.f32.msk $0xffff, v0  }
0x5d: {  	v0 =	vld [tilespmem:s22+$0x6410];
	_ =	sdelay $0x4  }
0x5e: {  	[tilespmem:s7+$0x10] =	vst.add.f32.msk $0xffff, v0  }
0x5f: {  	v0 =	vld [tilespmem:s22+$0x6420]  }
.Ltmp2:
0x60: {  	(pc) =	sbr.rel @p0 .LBB2_3-.Ltmp2, $2  }
0x61: {  	_ =	sdelay $0x2  }
0x62: {  	[tilespmem:s7+$0x20] =	vst.add.f32.msk $0xffff, v0  }
0x63: {  	v0 =	vld [tilespmem:s22+$0x6430];
	_ =	sdelay $0x2  }
0x64: {  	s6 =	sadd.s32 s3, s31  }
0x65: {  	s11 =	simm.s32 $0x9600;
	p0 =	seq.s32 s30, $0x0;
	s6 =	sshll.u32 s6, $0x3  }
0x66: {  	s8 =	simm.s32 @!p0 $0x7;
	s6 =	sadd.s32 s2, s6;
	[tilespmem:s7+$0x30] =	vst.add.f32.msk $0xffff, v0;
	s7 =	sshll.u32 s30, $0x2  }
0x67: {  	[hbm4b:s6+s4] =	stream.linear.scatter [tilespmem:s11], [sflag:$0x5], $0x2000, $0x38;
	[tilespmem:$0x11600] =	vst v63  }
0x68: {  	s10 =	sadd.s32 $0xFFFFFFFE, s9;
	s22 =	sor.u32 $0x2, s7;
	_ =	swait.ge @!p0 [sflag:s8], $0x2000  }
0x69: {  	s24 =	sadd.s32 $0x82, s10;
	s6 =	sshll.u32 s22, $0x7;
	[sflag:s8] =	ssyncset.done @!p0 $0x0  }
0x6a: {  	s22 =	sshll.u32 s24, $0x8;
	s23 =	sand.u32 $0x3FFFFF80, s6;
	[sflag:s8] =	ssyncadd.s32 @!p0 $0xFFFFE000  }
0x6b: {  	[tilespmem:s15], [sflag:$0x3] =	stream.indirect.gather [hbm4b:s5+s14], $0x40, s23, s14, $0xb8;
	[tilespmem:$0x11600] =	vst v63  }
0x6c: {  	p1 =	slt.u32 s24, $0xC8;
	s8 =	sadd.s32 $0xFFFF3800, s22;
	_ =	swait.ge [sflag:s16], $0x2000  }
0x6d: {  	s8 =	smov.u32 @p1 s22;
	[sflag:s16] =	ssyncset.done $0x0  }
0x6e: {  	s22 =	sshra.s32 s8, $0x2;
	[sflag:s16] =	ssyncadd.s32 $0xFFFFE000  }
0x6f: {  	v63 =	vld [tilespmem:s22+$0x6400];
	_ =	sdelay $0x3  }
0x70: {  	s8 =	simm.s32 $0xB670  }
0x71: {  	[tilespmem:s8+$0xFFFFFF90] =	vst.add.f32.msk $0xffff, v63  }
0x72: {  	v0 =	vld [tilespmem:s22+$0x6410];
	_ =	sdelay $0x4  }
0x73: {  	[tilespmem:s8+$0xFFFFFFA0] =	vst.add.f32.msk $0xffff, v0  }
0x74: {  	v0 =	vld [tilespmem:s22+$0x6420];
	_ =	sdelay $0x4  }
0x75: {  	[tilespmem:s8+$0xFFFFFFB0] =	vst.add.f32.msk $0xffff, v0  }
0x76: {  	v0 =	vld [tilespmem:s22+$0x6430]  }
0x77: {  	s10 =	sadd.s32 $0x83, s10  }
0x78: {  	s22 =	sshll.u32 s10, $0x8  }
0x79: {  	p1 =	slt.u32 s10, $0xC8;
	s10 =	sadd.s32 $0xFFFF3800, s22  }
0x7a: {  	s10 =	smov.u32 @p1 s22  }
0x7b: {  	s10 =	sshra.s32 s10, $0x2;
	[tilespmem:s8+$0xFFFFFFC0] =	vst.add.f32.msk $0xffff, v0  }
0x7c: {  	v0 =	vld [tilespmem:s10+$0x6400];
	_ =	sdelay $0x4  }
0x7d: {  	[tilespmem:s8+$0xFFFFFFD0] =	vst.add.f32.msk $0xffff, v0  }
0x7e: {  	v0 =	vld [tilespmem:s10+$0x6410];
	_ =	sdelay $0x4  }
0x7f: {  	[tilespmem:s8+$0xFFFFFFE0] =	vst.add.f32.msk $0xffff, v0  }
0x80: {  	v0 =	vld [tilespmem:s10+$0x6420];
	_ =	sdelay $0x4  }
0x81: {  	s23 =	simm.s32 $0x0;
	s22 =	sor.u32 $0x80, s31;
	[tilespmem:s8+$0xFFFFFFF0] =	vst.add.f32.msk $0xffff, v0  }
.LBB2_5:
0x82: {  	s24 =	sadd.s32 s23, s9;
	s23 =	sadd.s32 $0x2, s23;
	v0 =	vld [tilespmem:s10+$0x6430]  }
0x83: {  	s10 =	sadd.s32 $0x82, s24;
	p1 =	slt.u32 s23, $0x7E  }
0x84: {  	s11 =	sshll.u32 s10, $0x8  }
0x85: {  	p2 =	slt.u32 s10, $0xC8;
	s10 =	sadd.s32 $0xFFFF3800, s11  }
0x86: {  	s10 =	smov.u32 @p2 s11  }
0x87: {  	s10 =	sshra.s32 s10, $0x2;
	[tilespmem:s8+$0x0] =	vst.add.f32.msk $0xffff, v0  }
0x88: {  	v0 =	vld [tilespmem:s10+$0x6400];
	_ =	sdelay $0x3  }
0x89: {  	s8 =	sadd.s32 $0x80, s8  }
0x8a: {  	[tilespmem:s8+$0xFFFFFF90] =	vst.add.f32.msk $0xffff, v0  }
0x8b: {  	v0 =	vld [tilespmem:s10+$0x6410];
	_ =	sdelay $0x4  }
0x8c: {  	[tilespmem:s8+$0xFFFFFFA0] =	vst.add.f32.msk $0xffff, v0  }
0x8d: {  	v0 =	vld [tilespmem:s10+$0x6420];
	_ =	sdelay $0x4  }
0x8e: {  	[tilespmem:s8+$0xFFFFFFB0] =	vst.add.f32.msk $0xffff, v0  }
0x8f: {  	v0 =	vld [tilespmem:s10+$0x6430]  }
0x90: {  	s10 =	sadd.s32 $0x83, s24  }
0x91: {  	s11 =	sshll.u32 s10, $0x8  }
0x92: {  	p2 =	slt.u32 s10, $0xC8;
	s10 =	sadd.s32 $0xFFFF3800, s11  }
0x93: {  	s10 =	smov.u32 @p2 s11  }
0x94: {  	s10 =	sshra.s32 s10, $0x2;
	[tilespmem:s8+$0xFFFFFFC0] =	vst.add.f32.msk $0xffff, v0  }
0x95: {  	v0 =	vld [tilespmem:s10+$0x6400];
	_ =	sdelay $0x4  }
0x96: {  	[tilespmem:s8+$0xFFFFFFD0] =	vst.add.f32.msk $0xffff, v0  }
0x97: {  	v0 =	vld [tilespmem:s10+$0x6410];
	_ =	sdelay $0x4  }
0x98: {  	[tilespmem:s8+$0xFFFFFFE0] =	vst.add.f32.msk $0xffff, v0  }
0x99: {  	v0 =	vld [tilespmem:s10+$0x6420]  }
.Ltmp3:
0x9a: {  	(pc) =	sbr.rel @p1 .LBB2_5-.Ltmp3, $2  }
0x9b: {  	_ =	sdelay $0x2  }
0x9c: {  	[tilespmem:s8+$0xFFFFFFF0] =	vst.add.f32.msk $0xffff, v0  }
0x9d: {  	v0 =	vld [tilespmem:s10+$0x6430];
	_ =	sdelay $0x1  }
0x9e: {  	s9 =	sadd.s32 s3, s22  }
0x9f: {  	s9 =	sshll.u32 s9, $0x3  }
0xa0: {  	s9 =	sand.u32 $0x1FFFF400, s9  }
0xa1: {  	s22 =	sadd.s32 s2, s9;
	[tilespmem:s8+$0x0] =	vst.add.f32.msk $0xffff, v0;
	s8 =	simm.s32 @!p0 $0x8  }
0xa2: {  	[hbm4b:s22+s4] =	stream.linear.scatter [tilespmem:s12], [sflag:$0x6], $0x2000, $0x38;
	[tilespmem:$0x11600] =	vst v63  }
0xa3: {  	s7 =	sor.u32 $0x3, s7;
	s23 =	sadd.s32 $0xFFFFFFFE, s0;
	_ =	swait.ge @!p0 [sflag:s8], $0x2000  }
0xa4: {  	s24 =	sadd.s32 $0x102, s23;
	s9 =	sshll.u32 s7, $0x7;
	[sflag:s8] =	ssyncset.done @!p0 $0x0  }
0xa5: {  	s10 =	sshll.u32 s24, $0x8;
	s7 =	sand.u32 $0x3FFFFF80, s9;
	[sflag:s8] =	ssyncadd.s32 @!p0 $0xFFFFE000  }
0xa6: {  	[tilespmem:s17], [sflag:$0x4] =	stream.indirect.gather [hbm4b:s5+s14], $0x40, s7, s14, $0xb8;
	[tilespmem:$0x11600] =	vst v63  }
0xa7: {  	p0 =	slt.u32 s24, $0xC8;
	s7 =	sadd.s32 $0xFFFF3800, s10;
	_ =	swait.ge [sflag:s18], $0x2000  }
0xa8: {  	s7 =	smov.u32 @p0 s10;
	[sflag:s18] =	ssyncset.done $0x0  }
0xa9: {  	s10 =	sshra.s32 s7, $0x2;
	[sflag:s18] =	ssyncadd.s32 $0xFFFFE000  }
0xaa: {  	v63 =	vld [tilespmem:s10+$0x6400];
	_ =	sdelay $0x3  }
0xab: {  	s7 =	simm.s32 $0xD670  }
0xac: {  	[tilespmem:s7+$0xFFFFFF90] =	vst.add.f32.msk $0xffff, v63  }
0xad: {  	v0 =	vld [tilespmem:s10+$0x6410];
	_ =	sdelay $0x4  }
0xae: {  	[tilespmem:s7+$0xFFFFFFA0] =	vst.add.f32.msk $0xffff, v0  }
0xaf: {  	v0 =	vld [tilespmem:s10+$0x6420];
	_ =	sdelay $0x4  }
0xb0: {  	[tilespmem:s7+$0xFFFFFFB0] =	vst.add.f32.msk $0xffff, v0  }
0xb1: {  	v0 =	vld [tilespmem:s10+$0x6430]  }
0xb2: {  	s8 =	sadd.s32 $0x103, s23  }
0xb3: {  	s10 =	sshll.u32 s8, $0x8  }
0xb4: {  	p0 =	slt.u32 s8, $0xC8;
	s8 =	sadd.s32 $0xFFFF3800, s10  }
0xb5: {  	s8 =	smov.u32 @p0 s10  }
0xb6: {  	s10 =	sshra.s32 s8, $0x2;
	[tilespmem:s7+$0xFFFFFFC0] =	vst.add.f32.msk $0xffff, v0  }
0xb7: {  	v0 =	vld [tilespmem:s10+$0x6400];
	_ =	sdelay $0x4  }
0xb8: {  	[tilespmem:s7+$0xFFFFFFD0] =	vst.add.f32.msk $0xffff, v0  }
0xb9: {  	v0 =	vld [tilespmem:s10+$0x6410];
	_ =	sdelay $0x4  }
0xba: {  	[tilespmem:s7+$0xFFFFFFE0] =	vst.add.f32.msk $0xffff, v0  }
0xbb: {  	v0 =	vld [tilespmem:s10+$0x6420];
	_ =	sdelay $0x4  }
0xbc: {  	s8 =	simm.s32 $0x0;
	[tilespmem:s7+$0xFFFFFFF0] =	vst.add.f32.msk $0xffff, v0  }
.LBB2_7:
0xbd: {  	s11 =	sadd.s32 s8, s0;
	s8 =	sadd.s32 $0x2, s8;
	v0 =	vld [tilespmem:s10+$0x6430]  }
0xbe: {  	s10 =	sadd.s32 $0x102, s11;
	p0 =	slt.u32 s8, $0x7E  }
0xbf: {  	s22 =	sshll.u32 s10, $0x8  }
0xc0: {  	p1 =	slt.u32 s10, $0xC8;
	s10 =	sadd.s32 $0xFFFF3800, s22  }
0xc1: {  	s10 =	smov.u32 @p1 s22  }
0xc2: {  	s10 =	sshra.s32 s10, $0x2;
	[tilespmem:s7+$0x0] =	vst.add.f32.msk $0xffff, v0  }
0xc3: {  	v0 =	vld [tilespmem:s10+$0x6400];
	_ =	sdelay $0x3  }
0xc4: {  	s7 =	sadd.s32 $0x80, s7  }
0xc5: {  	[tilespmem:s7+$0xFFFFFF90] =	vst.add.f32.msk $0xffff, v0  }
0xc6: {  	v0 =	vld [tilespmem:s10+$0x6410];
	_ =	sdelay $0x4  }
0xc7: {  	[tilespmem:s7+$0xFFFFFFA0] =	vst.add.f32.msk $0xffff, v0  }
0xc8: {  	v0 =	vld [tilespmem:s10+$0x6420];
	_ =	sdelay $0x4  }
0xc9: {  	[tilespmem:s7+$0xFFFFFFB0] =	vst.add.f32.msk $0xffff, v0  }
0xca: {  	v0 =	vld [tilespmem:s10+$0x6430]  }
0xcb: {  	s10 =	sadd.s32 $0x103, s11  }
0xcc: {  	s11 =	sshll.u32 s10, $0x8  }
0xcd: {  	p1 =	slt.u32 s10, $0xC8;
	s10 =	sadd.s32 $0xFFFF3800, s11  }
0xce: {  	s10 =	smov.u32 @p1 s11  }
0xcf: {  	s10 =	sshra.s32 s10, $0x2;
	[tilespmem:s7+$0xFFFFFFC0] =	vst.add.f32.msk $0xffff, v0  }
0xd0: {  	v0 =	vld [tilespmem:s10+$0x6400];
	_ =	sdelay $0x4  }
0xd1: {  	[tilespmem:s7+$0xFFFFFFD0] =	vst.add.f32.msk $0xffff, v0  }
0xd2: {  	v0 =	vld [tilespmem:s10+$0x6410];
	_ =	sdelay $0x4  }
0xd3: {  	[tilespmem:s7+$0xFFFFFFE0] =	vst.add.f32.msk $0xffff, v0  }
0xd4: {  	v0 =	vld [tilespmem:s10+$0x6420]  }
.Ltmp4:
0xd5: {  	(pc) =	sbr.rel @p0 .LBB2_7-.Ltmp4, $2  }
0xd6: {  	_ =	sdelay $0x2  }
0xd7: {  	[tilespmem:s7+$0xFFFFFFF0] =	vst.add.f32.msk $0xffff, v0  }
0xd8: {  	v0 =	vld [tilespmem:s10+$0x6430];
	_ =	sdelay $0x1  }
0xd9: {  	s0 =	sadd.s32 s3, s6  }
0xda: {  	s0 =	sshll.u32 s0, $0x3  }
0xdb: {  	s0 =	sand.u32 $0x1FFFF800, s0  }
0xdc: {  	p0 =	seq.s32 s30, $0x31;
	s23 =	sadd.s32 $0xFFFFFFFE, s1;
	s0 =	sadd.s32 s2, s0;
	[tilespmem:s7+$0x0] =	vst.add.f32.msk $0xffff, v0  }
0xdd: {  	[hbm4b:s0+s4] =	stream.linear.scatter [tilespmem:s15], [sflag:$0x7], $0x2000, $0x38;
	[tilespmem:$0x11600] =	vst v63  }
0xde: {  	s6 =	simm.s32 @!p0 $0x80;
	s0 =	sshll.u32 @!p0 s30, $0x9;
	_ =	swait.ge [sflag:s19], $0x2000  }
0xdf: {  	s24 =	sadd.s32 $0x182, s23;
	s0 =	sand.u32 @!p0 $0x3FFFFE00, s0;
	[sflag:s19] =	ssyncset.done $0x0  }
0xe0: {  	s7 =	simm.s32 @!p0 $0x9600;
	s0 =	sadd.s32 @!p0 $0x200, s0;
	[sflag:s19] =	ssyncadd.s32 $0xFFFFE000  }
0xe1: {  	[tilespmem:s7], [sflag:$0x1] =	stream.indirect.gather @!p0 [hbm4b:s5+s6], $0x40, s0, s6, $0xb8;
	[tilespmem:$0x11600] =	vst v63  }
0xe2: {  	s7 =	sshll.u32 s24, $0x8  }
0xe3: {  	p1 =	slt.u32 s24, $0xC8;
	_ =	swait.ge [sflag:s20], $0x2000;
	s0 =	sadd.s32 $0xFFFF3800, s7  }
0xe4: {  	[sflag:s20] =	ssyncset.done $0x0;
	s0 =	smov.u32 @p1 s7  }
0xe5: {  	[sflag:s20] =	ssyncadd.s32 $0xFFFFE000;
	s7 =	sshra.s32 s0, $0x2  }
0xe6: {  	v63 =	vld [tilespmem:s7+$0x6400];
	_ =	sdelay $0x3  }
0xe7: {  	s0 =	simm.s32 $0xF670  }
0xe8: {  	[tilespmem:s0+$0xFFFFFF90] =	vst.add.f32.msk $0xffff, v63  }
0xe9: {  	v0 =	vld [tilespmem:s7+$0x6410];
	_ =	sdelay $0x4  }
0xea: {  	[tilespmem:s0+$0xFFFFFFA0] =	vst.add.f32.msk $0xffff, v0  }
0xeb: {  	v0 =	vld [tilespmem:s7+$0x6420];
	_ =	sdelay $0x4  }
0xec: {  	[tilespmem:s0+$0xFFFFFFB0] =	vst.add.f32.msk $0xffff, v0  }
0xed: {  	v0 =	vld [tilespmem:s7+$0x6430]  }
0xee: {  	s6 =	sadd.s32 $0x183, s23  }
0xef: {  	s7 =	sshll.u32 s6, $0x8  }
0xf0: {  	p1 =	slt.u32 s6, $0xC8;
	s6 =	sadd.s32 $0xFFFF3800, s7  }
0xf1: {  	s6 =	smov.u32 @p1 s7  }
0xf2: {  	s7 =	sshra.s32 s6, $0x2;
	[tilespmem:s0+$0xFFFFFFC0] =	vst.add.f32.msk $0xffff, v0  }
0xf3: {  	v0 =	vld [tilespmem:s7+$0x6400];
	_ =	sdelay $0x4  }
0xf4: {  	[tilespmem:s0+$0xFFFFFFD0] =	vst.add.f32.msk $0xffff, v0  }
0xf5: {  	v0 =	vld [tilespmem:s7+$0x6410];
	_ =	sdelay $0x4  }
0xf6: {  	[tilespmem:s0+$0xFFFFFFE0] =	vst.add.f32.msk $0xffff, v0  }
0xf7: {  	v0 =	vld [tilespmem:s7+$0x6420];
	_ =	sdelay $0x4  }
0xf8: {  	s6 =	simm.s32 $0x0;
	[tilespmem:s0+$0xFFFFFFF0] =	vst.add.f32.msk $0xffff, v0  }
.LBB2_9:
0xf9: {  	s8 =	sadd.s32 s6, s1;
	s6 =	sadd.s32 $0x2, s6;
	v0 =	vld [tilespmem:s7+$0x6430]  }
0xfa: {  	s7 =	sadd.s32 $0x182, s8;
	p1 =	slt.u32 s6, $0x7E  }
0xfb: {  	s10 =	sshll.u32 s7, $0x8  }
0xfc: {  	p2 =	slt.u32 s7, $0xC8;
	s7 =	sadd.s32 $0xFFFF3800, s10  }
0xfd: {  	s7 =	smov.u32 @p2 s10  }
0xfe: {  	s7 =	sshra.s32 s7, $0x2;
	[tilespmem:s0+$0x0] =	vst.add.f32.msk $0xffff, v0  }
0xff: {  	v0 =	vld [tilespmem:s7+$0x6400];
	_ =	sdelay $0x3  }
0x100: {  	s0 =	sadd.s32 $0x80, s0  }
0x101: {  	[tilespmem:s0+$0xFFFFFF90] =	vst.add.f32.msk $0xffff, v0  }
0x102: {  	v0 =	vld [tilespmem:s7+$0x6410];
	_ =	sdelay $0x4  }
0x103: {  	[tilespmem:s0+$0xFFFFFFA0] =	vst.add.f32.msk $0xffff, v0  }
0x104: {  	v0 =	vld [tilespmem:s7+$0x6420];
	_ =	sdelay $0x4  }
0x105: {  	[tilespmem:s0+$0xFFFFFFB0] =	vst.add.f32.msk $0xffff, v0  }
0x106: {  	v0 =	vld [tilespmem:s7+$0x6430]  }
0x107: {  	s7 =	sadd.s32 $0x183, s8  }
0x108: {  	s8 =	sshll.u32 s7, $0x8  }
0x109: {  	p2 =	slt.u32 s7, $0xC8;
	s7 =	sadd.s32 $0xFFFF3800, s8  }
0x10a: {  	s7 =	smov.u32 @p2 s8  }
0x10b: {  	s7 =	sshra.s32 s7, $0x2;
	[tilespmem:s0+$0xFFFFFFC0] =	vst.add.f32.msk $0xffff, v0  }
0x10c: {  	v0 =	vld [tilespmem:s7+$0x6400];
	_ =	sdelay $0x4  }
0x10d: {  	[tilespmem:s0+$0xFFFFFFD0] =	vst.add.f32.msk $0xffff, v0  }
0x10e: {  	v0 =	vld [tilespmem:s7+$0x6410];
	_ =	sdelay $0x4  }
0x10f: {  	[tilespmem:s0+$0xFFFFFFE0] =	vst.add.f32.msk $0xffff, v0  }
0x110: {  	v0 =	vld [tilespmem:s7+$0x6420]  }
.Ltmp5:
0x111: {  	(pc) =	sbr.rel @p1 .LBB2_9-.Ltmp5, $2  }
0x112: {  	_ =	sdelay $0x2  }
0x113: {  	[tilespmem:s0+$0xFFFFFFF0] =	vst.add.f32.msk $0xffff, v0  }
0x114: {  	v0 =	vld [tilespmem:s7+$0x6430];
	_ =	sdelay $0x1  }
0x115: {  	s1 =	sadd.s32 s3, s9  }
0x116: {  	s1 =	sshll.u32 s1, $0x3  }
0x117: {  	s1 =	sand.u32 $0x1FFFFC00, s1  }
.Ltmp6:
0x118: {  	s24 =	sadd.s32 s2, s1;
	[tilespmem:s0+$0x0] =	vst.add.f32.msk $0xffff, v0;
	(pc) =	sbr.rel @p0 .LBB2_12-.Ltmp6, $4  }
0x119: {  	[hbm4b:s24+s4] =	stream.linear.scatter [tilespmem:s17], [sflag:$0x8], $0x2000, $0x38;
	[tilespmem:$0x11600] =	vst v63  }
0x11a: {  	_ =	swait.ge [sflag:s21], $0x2000  }
0x11b: {  	[sflag:s21] =	ssyncset.done $0x0  }
0x11c: {  	[sflag:s21] =	ssyncadd.s32 $0xFFFFE000  }
.Ltmp7:
0x11d: {  	(pc) =	sbr.rel .LBB2_2-.Ltmp7, $4  }
0x11e: {  	s0 =	sand.u32 $0x3FFFFE00, s31  }
0x11f: {  	s30 =	sadd.s32 $0x1, s30;
	s29 =	sadd.s32 $0x200, s29;
	s28 =	sadd.s32 $0x200, s28  }
0x120: {  	s25 =	sadd.s32 $0x200, s25;
	s26 =	sadd.s32 $0x200, s26;
	s0 =	sadd.s32 $0x280, s0  }
0x121: {  	[tilespmem:s12], [sflag:$0x2] =	stream.indirect.gather [hbm4b:s5+s14], $0x40, s0, s14, $0xb8;
	[tilespmem:$0x11600] =	vst v63  }
.LBB2_13:
0x122: {  	_ =	sfence.sel $0x180000  }
0x123: {  	[bflag:$0x0] =	sbarrier.arrive $0xFFFF  }
0x124: {  	_ =	strace $0x90000047  }
0x125: {  	s0 =	stileid.u32;
	[bflag:$0x2] =	sbarrier.arrive $0xFFFF  }
0x126: {  	p0 =	sne.s32 s0, $0x0;
	s0 =	rddreg [dreg:$0x2]  }
0x127: {  	s0 =	sadd.s32 @!p0 $0x100000, s0  }
0x128: {  	[sflag:s0] =	ssyncadd.tile.s32 @!p0 $0x1;
	_ =	shalt  }
.Lfunc_end2:
_tile_overlayer_lowered:
.L_overlay_start_2:
0x129: {  	(tag) =	ssettag $0x2  }
0x12a: {  	s0 =	rddreg [dreg:$0x0];
	s2 =	stileid.u32  }
0x12b: {  	s1 =	rddreg [dreg:$0x1];
	p0 =	sne.s32 s2, $0x0  }
0x12c: {  	s3 =	rddreg [dreg:$0x2];
	[bflag:$0x3] =	sbarrier.arrive $0xFFFF;
	s2 =	simm.s32 @!p0 $0x1C09  }
0x12d: {  	[timem:s3], [sflag:s2] =	dma.local @!p0 [hbm:s0], s1  }
0x12e: {  	s0 =	simm.s32 @!p0 $0x9  }
0x12f: {  	_ =	swait.ge @!p0 [sflag:s0], s1  }
0x130: {  	s1 =	ssub.s32 @!p0 $0x0, s1;
	[sflag:s0] =	ssyncset.done @!p0 $0x0  }
0x131: {  	[sflag:s0] =	ssyncadd.s32 @!p0 s1  }
0x132: {  	[bflag:$0x3] =	sbarrier.arrive $0xFFFF  }
0x133: {  	_ =	shalt  }

// kernel: sparse-core-data-format-call.cloned.1.call-start
scs
called_computation_lowered:
.L_overlay_start_0:
0x0: {  	s2 =	sld [smem:$0x3FD9]  }
0x1: {  	s3 =	sld [smem:$0x3FFE];
	_ =	sdelay $0x1  }
0x2: {  	s1 =	srdreg.scid  }
0x3: {  	s0 =	sand.u32 $0x1, s1  }
0x4: {  	s18 =	sshll.u32 s0, $0xA;
	s2 =	sadd.s32 s3, s2  }
0x5: {  	s2 =	sadd.s32 s2, s18  }
0x6: {  	[smem:$0x3FC5] =	sst s2  }
0x7: {  	_ = 	snop  }
0x8: {  	s2 =	sld [smem:$0x3FD0];
	(tm) =	ssettm $0x1  }
0x9: {  	s19 =	sld [smem:$0x3FFB];
	_ =	sdelay $0x3  }
0xa: {  	_ =	strace s19  }
0xb: {  	s3 =	sld [smem:$0x3FFC];
	_ =	sdelay $0x3  }
0xc: {  	_ =	strace s3  }
0xd: {  	s3 =	sld [smem:$0x3FFD];
	_ =	sdelay $0x3  }
0xe: {  	_ =	strace s3  }
0xf: {  	_ =	strace $0x8FFFFFFF  }
0x10: {  	s20 =	sld [smem:$0x3FDB];
	_ =	sdelay $0x1  }
0x11: {  	s4 =	simm.s32 $_scs_section_size  }
0x12: {  	s5 =	simm.s32 $_size__tile_overlayer_lowered;
	s6 =	simm.s32 $_tile_overlayer_lowered  }
0x13: {  	s23 =	simm.s32 $0x1BFF;
	s22 =	sshll.u32 s6, $0x1;
	s3 =	sadd.s32 s4, s20  }
0x14: {  	s7 =	simm.s32 $0x0;
	s21 =	sshll.u32 s5, $0x1;
	s5 =	sadd.s32 s22, s3  }
0x15: {  	[timem:s7], [sflag:s23] =	dma.local [hbm:s5], s21  }
0x16: {  	_ =	swait.ge [sflag:s23], s21  }
0x17: {  	s4 =	ssub.s32 $0x0, s21;
	[sflag:s23] =	ssyncset.done $0x0  }
0x18: {  	[sflag:s23] =	ssyncadd.s32 s4;
	_ =	sdelay $0x1  }
0x19: {  	s24 =	simm.s32 $0x1B8B  }
0x1a: {  	_ =	swait.ge [sflag:s24], $0x1  }
0x1b: {  	[sflag:s24] =	ssyncset.done $0x0  }
0x1c: {  	s26 =	simm.s32 $0x1B8E;
	s25 =	sld [smem:$0x3FFE];
	[sflag:s24] =	ssyncadd.s32 $0xFFFFFFFF  }
0x1d: {  	s27 =	simm.s32 $execute0_lowered;
	[smem:$0x3FD2] =	sst s26  }
0x1e: {  	s5 =	sshll.u32 s27, $0x1;
	_ =	strace $0x80000049;
	[dreg:$0x1] =	wrdreg $0xFFFFFFFF  }
0x1f: {  	s28 =	simm.s32 $_size_execute0_lowered;
	s3 =	sadd.s32 s3, s5;
	[dreg:$0x0] =	wrdreg $0x0  }
0x20: {  	s5 =	sshll.u32 s28, $0x1;
	[dreg:$0x2] =	wrdreg s3  }
0x21: {  	[dreg:$0x3] =	wrdreg s5  }
0x22: {  	[dreg:$0x4] =	wrdreg $0xC0  }
0x23: {  	_ =	task [dreg:s7], $0x5FFFF  }
0x24: {  	[dreg:$0x1] =	wrdreg $0xFFFFFFFF  }
0x25: {  	[dreg:$0x0] =	wrdreg $0x60  }
0x26: {  	[dreg:$0x2] =	wrdreg s25  }
0x27: {  	[dreg:$0x3] =	wrdreg s2  }
0x28: {  	[dreg:$0x4] =	wrdreg $0x9  }
0x29: {  	_ =	task.clear_ibuf [dreg:s7], $0x5FFFF;
	_ =	strace $0x90000049  }
0x2a: {  	s29 =	simm.s32 $0x9;
	_ =	strace $0x8000004B  }
0x2b: {  	_ =	swait.ge [sflag:s29], $0x1  }
0x2c: {  	[sflag:s29] =	ssyncadd.s32 $0xFFFFFFFF  }
0x2d: {  	_ =	strace $0x9000004B  }
0x2e: {  	_ =	sfence  }
0x2f: {  	s30 =	sld [smem:$0x0];
	_ =	sdelay $0x2  }
0x30: {  	s31 =	sshll.u32 s1, $0xD;
	s1 =	sshrl.u32 s1, $0x2  }
0x31: {  	s3 =	sand.u32 $0x4000, s31;
	s1 =	sadd.s32 s1, s30  }
0x32: {  	s0 =	sor.u32 s3, s0;
	s1 =	sshll.u32 s1, $0x11  }
0x33: {  	s0 =	sor.u32 s1, s0  }
0x34: {  	s0 =	sadd.s32 $0x8F2B, s0  }
0x35: {  	[sflag:s0] =	ssyncadd.remote.s32 $0x1  }
0x36: {  	_ =	sfence.sel $0xFFFF  }
0x37: {  	[dreg:$0x0] =	wrdreg $0xFFFFFFFF;
	(pc) =	sbr.abs _section_cstart, $3  }
0x38: {  	[dreg:$0x1] =	wrdreg $0xFFFFFFFF  }
0x39: {  	_ =	task.clear_ibuf [dreg:s7], $0x2FFFF;
	_ =	strace $0x9FFFFFFF  }
0x3a: {  	(tm) =	ssettm $0x7FFFFFFF  }
0x3b: {  	_ =	shalt  }
tec
execute0_lowered:
.L_overlay_start_1:
0x0: {  	(tag) =	ssettag $0x1  }
0x1: {  	s0 =	srdreg.scid  }
0x2: {  	s1 =	sshll.u32 s0, $0x4  }
0x3: {  	s0 =	stileid.u32;
	s1 =	sand.u32 $0x10, s1  }
0x4: {  	s1 =	sor.u32 s0, s1  }
0x5: {  	s6 =	rddreg [dreg:$0x0];
	s4 =	simm.s32 $0x1;
	s2 =	sshll.u32 s1, $0x7  }
0x6: {  	s7 =	simm.s32 $0x2;
	s12 =	simm.s32 $0x0;
	s1 =	ssub.s32 $0x1000, s2  }
0x7: {  	s8 =	simm.s32 $0x8000;
	s13 =	simm.s32 $0x0;
	s3 =	sand.u32 $0xF80, s1  }
0x8: {  	s9 =	simm.s32 $0x0;
	s5 =	sshrl.u32 s1, $0xC;
	p0 =	sne.s32 s3, $0x0  }
.Ltmp0:
0x9: {  	s1 =	rddreg [dreg:$0x2];
	s4 =	simm.s32 @!p0 $0x0;
	(pc) =	sbr.rel .LBB1_1-.Ltmp0, $4  }
0xa: {  	s11 =	simm.s32 $0x0;
	s3 =	rddreg [dreg:$0x1];
	s5 =	sadd.s32 s4, s5  }
0xb: {  	_ =	strace $0x8000004A;
	s4 =	simm.s32 $0x1;
	s5 =	smul.u32 $0xC8, s5  }
0xc: {  	s6 =	sadd.s32 $0xC00, s6;
	s10 =	smov.u32 s2;
	[sflag:s4] =	ssyncpa.u1 $0x0  }
0xd: {  	p0 =	por $0x0, $0x0;
	[sflag:s7] =	ssyncpa.u1 $0x0;
	s7 =	sor.u32 $0x1, s5  }
.LBB1_4:
0xe: {  	s16 =	sshll.u32 s13, $0x3;
	s17 =	sand.u32 $0x78, s13  }
0xf: {  	s30 =	sand.u32 $0x7E00, s13;
	s12 =	sshll.u32 s12, $0xF;
	s16 =	sand.u32 $0xC00, s16  }
0x10: {  	[tilespmem:s15+$0x810 ss:$0x81] =	vst.msk $0xffff, v2;
	s31 =	sand.u32 $0x7, s13;
	s16 =	sor.u32 s17, s16;
	s17 =	sadd.s32 s3, s30  }
0x11: {  	[tilespmem:s15+$0x1020 ss:$0x81] =	vst.msk $0xffff, v0;
	s13 =	sshll.u32 s31, $0x12;
	s12 =	sadd.s32 s12, s17;
	s16 =	sshrl.u32 s16, $0x3  }
0x12: {  	[tilespmem:s15+$0x0 ss:$0x81] =	vst.msk $0xffff, v1;
	s13 =	sor.u32 $0x400, s13;
	s12 =	sadd.s32 s16, s12  }
0x13: {  	[hbm4b:s12+s13] =	stream.strided.scatter [tilespmem:s14], [sflag:$0x2], $0x2000, s8, s13, $0x20;
	[tilespmem:$0x8080] =	vst v63  }
.LBB1_5:
0x14: {  	s14 =	sadd.s32 $0x1, s9  }
0x15: {  	s12 =	sadd.s32 $0x1000, s10;
	s16 =	smov.u32 s10;
	p2 =	sgt.s32 s14, $0xC7  }
0x16: {  	s16 =	smov.u32 @p2 s12  }
0x17: {  	s14 =	simm.s32 @p2 $0x0;
	p2 =	sgt.s32 s16, $0xFFF  }
0x18: {  	s16 =	smov.u32 @p2 s2;
	p2 =	sne.s32 s11, s7  }
.Ltmp1:
0x19: {  	p1 =	slt.u32 s11, $0x2;
	(pc) =	sbr.rel @!p2 .LBB1_6-.Ltmp1, $4  }
0x1a: {  	s15 =	simm.s32 @!p1 $0x2  }
0x1b: {  	s13 =	smov.u32 s10;
	p0 =	por !p0, !p0;
	_ =	swait.ge @!p1 [sflag:s15], $0x2000  }
0x1c: {  	s12 =	smov.u32 s9;
	[sflag:s15] =	ssyncset.done @!p1 $0x0;
	s9 =	smov.u32 s14  }
0x1d: {  	s11 =	sadd.s32 $0x1, s11;
	[sflag:s15] =	ssyncadd.s32 @!p1 $0xFFFFE000;
	s10 =	smov.u32 s16  }
.LBB1_1:
0x1e: {  	p1 =	sge.u32 s11, s5  }
0x1f: {  	s14 =	sand.u32 @!p1 $0x1FFFFFF, s9  }
0x20: {  	s15 =	smulhi.u32 @!p1 $0x147AE15, s14;
	_ =	sdelay $0x1  }
0x21: {  	s15 =	smul.u32 @!p1 $0xC8, s15  }
0x22: {  	s16 =	sxor.u32 @!p1 $0xFFFFFFFF, s11;
	s17 =	smul.u32 @!p1 $0xC80, s10  }
0x23: {  	s31 =	sadd.s32 $0xFFFFFFFF, s11;
	s16 =	sshll.u32 @!p1 s16, $0xD;
	s14 =	ssub.s32 @!p1 s14, s15  }
0x24: {  	s15 =	sand.u32 @!p1 $0x2000, s16;
	s16 =	sadd.s32 @!p1 s6, s17;
	s14 =	sshll.u32 @!p1 s14, $0x4  }
0x25: {  	s17 =	simm.s32 @!p1 $0x6400;
	s14 =	sadd.s32 @!p1 s14, s16;
	s16 =	simm.s32 @!p1 $0x40  }
0x26: {  	[tilespmem:s15], [sflag:$0x1] =	stream.strided.gather @!p1 [hbm4b:s14+s16], $0x2000, s17, s16, $0x38;
	[tilespmem:$0x8080] =	vst v63  }
0x27: {  	p1 =	sge.u32 s31, s5  }
.Ltmp2:
0x28: {  	_ = 	snop;
	(pc) =	sbr.rel @p1 .LBB1_5-.Ltmp2, $1  }
0x29: {  	_ =	sdelay $0x3  }
0x2a: {  	s14 =	simm.s32 $0x1  }
0x2b: {  	_ =	swait.ge [sflag:s4], $0x2000;
	s14 =	simm.s32 @!p0 $0x0  }
0x2c: {  	[sflag:s4] =	ssyncset.done $0x0;
	s15 =	sshll.u32 s14, $0xD  }
0x2d: {  	[sflag:s4] =	ssyncadd.s32 $0xFFFFE000;
	s18 =	sor.u32 $0x20, s15  }
0x2e: {  	s14 =	smul.u32 $0x8100, s14;
	v3 =	vld [tilespmem:s18+$0x10]  }
0x2f: {  	s30 =	sand.u32 $0x1, s11;
	v2 =	vld [tilespmem:s18+$0xFFFFFFF0]  }
0x30: {  	s15 =	smul.u32 $0x8100, s30;
	s14 =	sshrl.u32 s14, $0x2;
	v0 =	vld [tilespmem:s18+$0x0]  }
0x31: {  	v1 =	vld [tilespmem:s18+$0xFFFFFFE0];
	s16 =	sor.u32 $0x4000, s14  }
0x32: {  	s31 =	sshrl.u32 s15, $0x2;
	s15 =	sadd.s32 $0x0, s16  }
0x33: {  	s17 =	simm.s32 $0x4;
	s18 =	sadd.s32 $0x40, s18;
	s14 =	sor.u32 $0x4000, s31;
	[tilespmem:s15+$0x1830 ss:$0x81] =	vst.msk $0xffff, v3  }
.LBB1_3:
0x34: {  	v3 =	vld [tilespmem:s18+$0x10];
	p1 =	sne.s32 s17, $0x1FC;
	[tilespmem:s15+$0x810 ss:$0x81] =	vst.msk $0xffff, v2;
	s19 =	smov.u32 s17;
	s17 =	sadd.s32 $0x4, s17  }
.Ltmp3:
0x35: {  	v2 =	vld [tilespmem:s18+$0xFFFFFFF0];
	[tilespmem:s15+$0x1020 ss:$0x81] =	vst.msk $0xffff, v0;
	(pc) =	sbr.rel @p1 .LBB1_3-.Ltmp3, $4  }
0x36: {  	v0 =	vld [tilespmem:s18+$0x0];
	[tilespmem:s15+$0x0 ss:$0x81] =	vst.msk $0xffff, v1  }
0x37: {  	s15 =	sshra.s32 s19, $0x2;
	v1 =	vld [tilespmem:s18+$0xFFFFFFE0]  }
0x38: {  	s15 =	sadd.s32 s15, s16  }
0x39: {  	s18 =	sadd.s32 $0x40, s18;
	[tilespmem:s15+$0x1830 ss:$0x81] =	vst.msk $0xffff, v3  }
.Ltmp4:
0x3a: {  	_ = 	snop;
	(pc) =	sbr.rel .LBB1_4-.Ltmp4, $1  }
0x3b: {  	_ =	sdelay $0x3  }
.LBB1_6:
0x3c: {  	_ =	sfence.sel $0x180000  }
0x3d: {  	s2 =	simm.s32 $0x1;
	[bflag:$0x0] =	sbarrier.arrive $0xFFFF  }
0x3e: {  	s31 =	simm.s32 $0x2;
	[sflag:s2] =	ssyncpa.u1 $0x1  }
0x3f: {  	[sflag:s31] =	ssyncpa.u1 $0x1  }
0x40: {  	p0 =	sne.s32 s0, $0x0;
	_ =	strace $0x9000004A  }
0x41: {  	s0 =	sadd.s32 @!p0 $0x100000, s1;
	[bflag:$0x2] =	sbarrier.arrive $0xFFFF  }
0x42: {  	[sflag:s0] =	ssyncadd.tile.s32 @!p0 $0x1;
	_ =	shalt  }
.Lfunc_end1:
_tile_overlayer_lowered:
.L_overlay_start_2:
0x43: {  	(tag) =	ssettag $0x2  }
0x44: {  	s0 =	rddreg [dreg:$0x0];
	s2 =	stileid.u32  }
0x45: {  	s1 =	rddreg [dreg:$0x1];
	p0 =	sne.s32 s2, $0x0  }
0x46: {  	s3 =	rddreg [dreg:$0x2];
	[bflag:$0x3] =	sbarrier.arrive $0xFFFF;
	s2 =	simm.s32 @!p0 $0x1C01  }
0x47: {  	[timem:s3], [sflag:s2] =	dma.local @!p0 [hbm:s0], s1  }
0x48: {  	s0 =	simm.s32 @!p0 $0x1  }
0x49: {  	_ =	swait.ge @!p0 [sflag:s0], s1  }
0x4a: {  	s1 =	ssub.s32 @!p0 $0x0, s1;
	[sflag:s0] =	ssyncset.done @!p0 $0x0  }
0x4b: {  	[sflag:s0] =	ssyncadd.s32 @!p0 s1  }
0x4c: {  	[bflag:$0x3] =	sbarrier.arrive $0xFFFF  }
0x4d: {  	_ =	shalt  }

</sc_bundles>
